<compile_context>
chip_gen: v7x
topology: tpu7x:2x2x1
jax: 0.10.2.dev20260603
libtpu: 0.0.44.dev20260713+nightly
codegen_flags: <defaults>
</compile_context>

<pallas_src>
import jax
import jax.numpy as jnp
from jax import lax
from jax.experimental import pallas as pl
from jax.experimental.pallas import tpu as pltpu
from jax.experimental.pallas import tpu_sc as plsc

N = 32768
NS = 16
LANES = 16
CHUNK = N // NS
HALF = CHUNK // 2
NV = CHUNK // LANES
NACC = 4
BIG = 2**30

_mesh = plsc.VectorSubcoreMesh(
    core_axis_name="c", subcore_axis_name="s", num_cores=1)


def _merge_pairs(a, b):
    av, ai = a
    bv, bi = b
    take_b = (bv > av) | ((bv == av) & (bi < ai))
    return jnp.where(take_b, bv, av), jnp.where(take_b, bi, ai)


def _tree_min(vs):
    while len(vs) > 1:
        vs = [jnp.minimum(vs[i], vs[i + 1]) for i in range(0, len(vs) - 1, 2)] \
            + ([vs[-1]] if len(vs) % 2 else [])
    return vs[0]


def _tree_max(vs):
    while len(vs) > 1:
        vs = [jnp.maximum(vs[i], vs[i + 1]) for i in range(0, len(vs) - 1, 2)] \
            + ([vs[-1]] if len(vs) % 2 else [])
    return vs[0]


@pl.kernel(
    mesh=_mesh,
    out_type=jax.ShapeDtypeStruct((LANES,), jnp.float32),
    compiler_params=pltpu.CompilerParams(
        needs_layout_passes=False, use_tc_tiling_on_sc=False),
    scratch_types=[
        pltpu.VMEM((CHUNK,), jnp.float32),
        pltpu.VMEM((2, LANES), jnp.int32),
        pltpu.VMEM((NS, 2, LANES), jnp.int32),
        pltpu.VMEM_SHARED((NS, 2, LANES), jnp.int32),
        pltpu.VMEM((LANES,), jnp.float32),
        pltpu.SemaphoreType.DMA,
        pltpu.SemaphoreType.DMA,
    ],
)
def _top1_match_kernel(x_hbm, out_hbm, chunk, stage, lall, shared, outv,
                       sem0, sem1):
    cid = lax.axis_index("c")
    sid = lax.axis_index("s")
    base = sid * CHUNK

    cp0 = pltpu.async_copy(
        x_hbm.at[pl.ds(base, HALF)], chunk.at[pl.ds(0, HALF)], sem0)
    cp1 = pltpu.async_copy(
        x_hbm.at[pl.ds(base + HALF, HALF)], chunk.at[pl.ds(HALF, HALF)], sem1)

    ninf = jnp.full((LANES,), -jnp.inf, jnp.float32)
    zero = jnp.zeros((LANES,), jnp.int32)
    init = tuple((ninf, zero) for _ in range(NACC))

    def sweep(lo, hi, carry_in):
        @plsc.parallel_loop(lo, hi, step=NACC, unroll=2, carry=carry_in)
        def accs(j, carry):
            out = []
            for k in range(NACC):
                vmax, vidx = carry[k]
                v = chunk[pl.ds((j + k) * LANES, LANES)]
                take = v > vmax
                out.append((jnp.where(take, v, vmax),
                            jnp.where(take,
                                      jnp.full((LANES,), j + k, jnp.int32),
                                      vidx)))
            return tuple(out)
        return accs

    cp0.wait()
    mid = sweep(0, NV // 2, init)
    cp1.wait()
    accs = sweep(NV // 2, NV, mid)

    pairs = list(accs)
    while len(pairs) > 1:
        pairs = [_merge_pairs(pairs[i], pairs[i + 1])
                 for i in range(0, len(pairs), 2)]
    vmax, vidx = pairs[0]
    pubidx = vidx * LANES + (lax.iota(jnp.int32, LANES) + base)

    stage[0, :] = plsc.bitcast(vmax, jnp.int32)
    stage[1, :] = pubidx
    pltpu.sync_copy(stage, shared.at[sid])
    plsc.subcore_barrier()

    @pl.when((cid == 0) & (sid == 0))
    def _():
        pltpu.sync_copy(shared, lall)
        rows_max = [plsc.bitcast(lall[i, 0], jnp.float32) for i in range(NS)]
        rows_idx = [lall[i, 1] for i in range(NS)]
        gmax = jnp.max(_tree_max(rows_max))
        gsplat = jnp.broadcast_to(gmax, (LANES,))
        bigv = jnp.full((LANES,), BIG, jnp.int32)

        cand_a = [jnp.where(rows_max[i] == gsplat, rows_idx[i], bigv)
                  for i in range(NS)]
        top1 = jnp.min(_tree_min(cand_a))
        cand_b = [jnp.where(rows_max[i] == gsplat, rows_idx[i], bigv)
                  for i in range(NS)]
        first_occ = jnp.min(_tree_min(cand_b))

        result = jnp.where(top1 == first_occ, 1.0, 0.0).astype(jnp.float32)
        outv[...] = jnp.broadcast_to(result, (LANES,))
        pltpu.sync_copy(outv, out_hbm)


def kernel(x):
    return _top1_match_kernel(x)[:1]

# --- scband reference (transcript-rebuilt; emitter-appended) ---
"""Pipeline reference for scband-my-model-61933428416601 (READ-ONLY COPY).

The authoritative reference and input builder live on the scoring server;
editing this copy changes nothing except your own understanding.
"""

import jax, jax.numpy as jnp
import numpy as np


def setup_inputs(seed: int = 0) -> dict:
    key = jax.random.key(seed)
    x = jax.random.normal(key, (32768,), dtype=jnp.float32)
    return {"x": x}


def reference(x):
    # torch.topk(x, k=1, largest=True).indices -> index of the max element
    _, topk_indices = jax.lax.top_k(x, 1)
    # x.max()
    max_val = jnp.max(x)
    # (x == max_val).nonzero(as_tuple=True)[0][0] -> first index where x equals max
    first_occurrence = jnp.argmax(x == max_val)
    # torch.eq(topk_indices[0], first_occurrence).unsqueeze(0).float()
    return jnp.equal(topk_indices[0], first_occurrence)[None].astype(jnp.float32)

if __name__ == "__main__":
    import jax
    _d = setup_inputs()
    print(jax.jit(kernel)(*tuple(_d.values())))

</pallas_src>

<mosaic_0001>
#map = affine_map<(d0, d1) -> (0)>
module attributes {stable_mosaic.version = 14 : i64} {
  func.func @_top1_match_kernel(%arg0: i32, %arg1: i32, %arg2: memref<32768xf32, #tpu.memory_space<hbm>>, %arg3: memref<16xf32, #tpu.memory_space<hbm>>, %arg4: memref<2048xf32, #tpu.memory_space<vmem>>, %arg5: memref<2x16xi32, #tpu.memory_space<vmem>>, %arg6: memref<16x2x16xi32, #tpu.memory_space<vmem>>, %arg7: memref<16x2x16xi32, #tpu.memory_space<vmem_shared>>, %arg8: memref<16xf32, #tpu.memory_space<vmem>>, %arg9: memref<!tpu.dma_semaphore, #tpu.memory_space<semaphore_mem>>, %arg10: memref<!tpu.dma_semaphore, #tpu.memory_space<semaphore_mem>>) attributes {dimension_semantics = [#tpu.dimension_semantics<core_parallel>, #tpu.dimension_semantics<subcore_parallel>], iteration_bounds = array<i64: 1, 16>, scalar_prefetch = 0 : i64, scratch_operands = 7 : i64, tpu.core_type = #tpu.core_type<sc_vector_subcore>, window_params = [{transform_indices = #map}, {transform_indices = #map}]} {
    %mul3A = arith.constant 2048 : i32
    %mul3A_0 = arith.muli %arg1, %mul3A : i32
    %dma_start3A = arith.constant 0 : i32
    %dma_start3A_1 = tpu.memref_slice %arg4[%dma_start3A] : memref<2048xf32, #tpu.memory_space<vmem>> -> memref<1024xf32, #tpu.memory_space<vmem>>
    %dma_start3A_2 = tpu.memref_slice %arg2[%mul3A_0] : memref<32768xf32, #tpu.memory_space<hbm>> -> memref<1024xf32, #tpu.memory_space<hbm>>
    %dma_start3A_3 = arith.constant 0 : i32
    %dma_start3A_4 = tpu.memref_slice %arg4[%dma_start3A_3] : memref<2048xf32, #tpu.memory_space<vmem>> -> memref<1024xf32, #tpu.memory_space<vmem>>
    %dma_start3A_5 = tpu.memref_slice %arg2[%mul3A_0] : memref<32768xf32, #tpu.memory_space<hbm>> -> memref<1024xf32, #tpu.memory_space<hbm>>
    tpu.enqueue_dma source(%dma_start3A_5 : memref<1024xf32, #tpu.memory_space<hbm>>) target(%dma_start3A_4 : memref<1024xf32, #tpu.memory_space<vmem>>) target_semaphore(%arg9 : memref<!tpu.dma_semaphore, #tpu.memory_space<semaphore_mem>>)
    %add3A = arith.constant 1024 : i32
    %add3A_6 = arith.addi %mul3A_0, %add3A : i32
    %dma_start3A_7 = arith.constant 1024 : i32
    %dma_start3A_8 = tpu.memref_slice %arg4[%dma_start3A_7] : memref<2048xf32, #tpu.memory_space<vmem>> -> memref<1024xf32, #tpu.memory_space<vmem>>
    %dma_start3A_9 = tpu.memref_slice %arg2[%add3A_6] : memref<32768xf32, #tpu.memory_space<hbm>> -> memref<1024xf32, #tpu.memory_space<hbm>>
    %dma_start3A_10 = arith.constant 1024 : i32
    %dma_start3A_11 = tpu.memref_slice %arg4[%dma_start3A_10] : memref<2048xf32, #tpu.memory_space<vmem>> -> memref<1024xf32, #tpu.memory_space<vmem>>
    %dma_start3A_12 = tpu.memref_slice %arg2[%add3A_6] : memref<32768xf32, #tpu.memory_space<hbm>> -> memref<1024xf32, #tpu.memory_space<hbm>>
    tpu.enqueue_dma source(%dma_start3A_12 : memref<1024xf32, #tpu.memory_space<hbm>>) target(%dma_start3A_11 : memref<1024xf32, #tpu.memory_space<vmem>>) target_semaphore(%arg10 : memref<!tpu.dma_semaphore, #tpu.memory_space<semaphore_mem>>)
    %broadcast_in_dim3A = arith.constant 0xFF800000 : f32
    %broadcast_in_dim3A_13 = vector.broadcast %broadcast_in_dim3A : f32 to vector<16xf32>
    %broadcast_in_dim3A_14 = arith.constant 0 : i32
    %broadcast_in_dim3A_15 = vector.broadcast %broadcast_in_dim3A_14 : i32 to vector<16xi32>
    %dma_wait3A = arith.constant 0 : i32
    %dma_wait3A_16 = tpu.memref_slice %arg4[%dma_wait3A] : memref<2048xf32, #tpu.memory_space<vmem>> -> memref<1024xf32, #tpu.memory_space<vmem>>
    %dma_wait3A_17 = tpu.memref_slice %arg2[%mul3A_0] : memref<32768xf32, #tpu.memory_space<hbm>> -> memref<1024xf32, #tpu.memory_space<hbm>>
    %dma_wait3A_18 = arith.constant 0 : i32
    %dma_wait3A_19 = tpu.memref_slice %arg4[%dma_wait3A_18] : memref<2048xf32, #tpu.memory_space<vmem>> -> memref<1024xf32, #tpu.memory_space<vmem>>
    %dma_wait3A_20 = tpu.memref_slice %arg2[%mul3A_0] : memref<32768xf32, #tpu.memory_space<hbm>> -> memref<1024xf32, #tpu.memory_space<hbm>>
    tpu.wait_dma2 semaphore(%arg9 : memref<!tpu.dma_semaphore, #tpu.memory_space<semaphore_mem>>) src(%dma_wait3A_20 : memref<1024xf32, #tpu.memory_space<hbm>>) dst(%dma_wait3A_19 : memref<1024xf32, #tpu.memory_space<vmem>>)
    %parallel_loop3A = arith.constant 0 : i32
    %parallel_loop3A_21 = arith.constant 64 : i32
    %parallel_loop3A_22 = arith.constant 4 : i32
    %parallel_loop3A_23:8 = scf.for %parallel_loop3A_68 = %parallel_loop3A to %parallel_loop3A_21 step %parallel_loop3A_22 iter_args(%parallel_loop3A_69 = %broadcast_in_dim3A_13, %parallel_loop3A_70 = %broadcast_in_dim3A_15, %parallel_loop3A_71 = %broadcast_in_dim3A_13, %parallel_loop3A_72 = %broadcast_in_dim3A_15, %parallel_loop3A_73 = %broadcast_in_dim3A_13, %parallel_loop3A_74 = %broadcast_in_dim3A_15, %parallel_loop3A_75 = %broadcast_in_dim3A_13, %parallel_loop3A_76 = %broadcast_in_dim3A_15) -> (vector<16xf32>, vector<16xi32>, vector<16xf32>, vector<16xi32>, vector<16xf32>, vector<16xi32>, vector<16xf32>, vector<16xi32>)  : i32 {
      %parallel_loop3A_77 = arith.constant 0 : i32
      %parallel_loop3A_78 = arith.addi %parallel_loop3A_68, %parallel_loop3A_77 : i32
      %parallel_loop3A_79 = arith.constant 16 : i32
      %parallel_loop3A_80 = arith.muli %parallel_loop3A_78, %parallel_loop3A_79 : i32
      %parallel_loop3A_81 = arith.index_cast %parallel_loop3A_80 : i32 to index
      %parallel_loop3A_82 = tpu.vector_load %arg4[%parallel_loop3A_81] {strides = array<i32>} : memref<2048xf32, #tpu.memory_space<vmem>>, vector<16xf32>,
      %parallel_loop3A_83 = arith.cmpf ogt, %parallel_loop3A_82, %parallel_loop3A_69 : vector<16xf32>
      %parallel_loop3A_84 = arith.select %parallel_loop3A_83, %parallel_loop3A_82, %parallel_loop3A_69 : vector<16xi1>, vector<16xf32>
      %parallel_loop3A_85 = arith.constant 0 : i32
      %parallel_loop3A_86 = arith.addi %parallel_loop3A_68, %parallel_loop3A_85 : i32
      %parallel_loop3A_87 = vector.broadcast %parallel_loop3A_86 : i32 to vector<16xi32>
      %parallel_loop3A_88 = arith.select %parallel_loop3A_83, %parallel_loop3A_87, %parallel_loop3A_70 : vector<16xi1>, vector<16xi32>
      %parallel_loop3A_89 = arith.constant 1 : i32
      %parallel_loop3A_90 = arith.addi %parallel_loop3A_68, %parallel_loop3A_89 : i32
      %parallel_loop3A_91 = arith.constant 16 : i32
      %parallel_loop3A_92 = arith.muli %parallel_loop3A_90, %parallel_loop3A_91 : i32
      %parallel_loop3A_93 = arith.index_cast %parallel_loop3A_92 : i32 to index
      %parallel_loop3A_94 = tpu.vector_load %arg4[%parallel_loop3A_93] {strides = array<i32>} : memref<2048xf32, #tpu.memory_space<vmem>>, vector<16xf32>,
      %parallel_loop3A_95 = arith.cmpf ogt, %parallel_loop3A_94, %parallel_loop3A_71 : vector<16xf32>
      %parallel_loop3A_96 = arith.select %parallel_loop3A_95, %parallel_loop3A_94, %parallel_loop3A_71 : vector<16xi1>, vector<16xf32>
      %parallel_loop3A_97 = arith.constant 1 : i32
      %parallel_loop3A_98 = arith.addi %parallel_loop3A_68, %parallel_loop3A_97 : i32
      %parallel_loop3A_99 = vector.broadcast %parallel_loop3A_98 : i32 to vector<16xi32>
      %parallel_loop3A_100 = arith.select %parallel_loop3A_95, %parallel_loop3A_99, %parallel_loop3A_72 : vector<16xi1>, vector<16xi32>
      %parallel_loop3A_101 = arith.constant 2 : i32
      %parallel_loop3A_102 = arith.addi %parallel_loop3A_68, %parallel_loop3A_101 : i32
      %parallel_loop3A_103 = arith.constant 16 : i32
      %parallel_loop3A_104 = arith.muli %parallel_loop3A_102, %parallel_loop3A_103 : i32
      %parallel_loop3A_105 = arith.index_cast %parallel_loop3A_104 : i32 to index
      %parallel_loop3A_106 = tpu.vector_load %arg4[%parallel_loop3A_105] {strides = array<i32>} : memref<2048xf32, #tpu.memory_space<vmem>>, vector<16xf32>,
      %parallel_loop3A_107 = arith.cmpf ogt, %parallel_loop3A_106, %parallel_loop3A_73 : vector<16xf32>
      %parallel_loop3A_108 = arith.select %parallel_loop3A_107, %parallel_loop3A_106, %parallel_loop3A_73 : vector<16xi1>, vector<16xf32>
      %parallel_loop3A_109 = arith.constant 2 : i32
      %parallel_loop3A_110 = arith.addi %parallel_loop3A_68, %parallel_loop3A_109 : i32
      %parallel_loop3A_111 = vector.broadcast %parallel_loop3A_110 : i32 to vector<16xi32>
      %parallel_loop3A_112 = arith.select %parallel_loop3A_107, %parallel_loop3A_111, %parallel_loop3A_74 : vector<16xi1>, vector<16xi32>
      %parallel_loop3A_113 = arith.constant 3 : i32
      %parallel_loop3A_114 = arith.addi %parallel_loop3A_68, %parallel_loop3A_113 : i32
      %parallel_loop3A_115 = arith.constant 16 : i32
      %parallel_loop3A_116 = arith.muli %parallel_loop3A_114, %parallel_loop3A_115 : i32
      %parallel_loop3A_117 = arith.index_cast %parallel_loop3A_116 : i32 to index
      %parallel_loop3A_118 = tpu.vector_load %arg4[%parallel_loop3A_117] {strides = array<i32>} : memref<2048xf32, #tpu.memory_space<vmem>>, vector<16xf32>,
      %parallel_loop3A_119 = arith.cmpf ogt, %parallel_loop3A_118, %parallel_loop3A_75 : vector<16xf32>
      %parallel_loop3A_120 = arith.select %parallel_loop3A_119, %parallel_loop3A_118, %parallel_loop3A_75 : vector<16xi1>, vector<16xf32>
      %parallel_loop3A_121 = arith.constant 3 : i32
      %parallel_loop3A_122 = arith.addi %parallel_loop3A_68, %parallel_loop3A_121 : i32
      %parallel_loop3A_123 = vector.broadcast %parallel_loop3A_122 : i32 to vector<16xi32>
      %parallel_loop3A_124 = arith.select %parallel_loop3A_119, %parallel_loop3A_123, %parallel_loop3A_76 : vector<16xi1>, vector<16xi32>
      scf.yield %parallel_loop3A_84, %parallel_loop3A_88, %parallel_loop3A_96, %parallel_loop3A_100, %parallel_loop3A_108, %parallel_loop3A_112, %parallel_loop3A_120, %parallel_loop3A_124 : vector<16xf32>, vector<16xi32>, vector<16xf32>, vector<16xi32>, vector<16xf32>, vector<16xi32>, vector<16xf32>, vector<16xi32>
    } {sc.loop_unroll_factor = 2 : i64, sc.parallel_access}
    %dma_wait3A_24 = arith.constant 1024 : i32
    %dma_wait3A_25 = tpu.memref_slice %arg4[%dma_wait3A_24] : memref<2048xf32, #tpu.memory_space<vmem>> -> memref<1024xf32, #tpu.memory_space<vmem>>
    %dma_wait3A_26 = tpu.memref_slice %arg2[%add3A_6] : memref<32768xf32, #tpu.memory_space<hbm>> -> memref<1024xf32, #tpu.memory_space<hbm>>
    %dma_wait3A_27 = arith.constant 1024 : i32
    %dma_wait3A_28 = tpu.memref_slice %arg4[%dma_wait3A_27] : memref<2048xf32, #tpu.memory_space<vmem>> -> memref<1024xf32, #tpu.memory_space<vmem>>
    %dma_wait3A_29 = tpu.memref_slice %arg2[%add3A_6] : memref<32768xf32, #tpu.memory_space<hbm>> -> memref<1024xf32, #tpu.memory_space<hbm>>
    tpu.wait_dma2 semaphore(%arg10 : memref<!tpu.dma_semaphore, #tpu.memory_space<semaphore_mem>>) src(%dma_wait3A_29 : memref<1024xf32, #tpu.memory_space<hbm>>) dst(%dma_wait3A_28 : memref<1024xf32, #tpu.memory_space<vmem>>)
    %parallel_loop3A_30 = arith.constant 64 : i32
    %parallel_loop3A_31 = arith.constant 128 : i32
    %parallel_loop3A_32 = arith.constant 4 : i32
    %parallel_loop3A_33:8 = scf.for %parallel_loop3A_68 = %parallel_loop3A_30 to %parallel_loop3A_31 step %parallel_loop3A_32 iter_args(%parallel_loop3A_69 = %parallel_loop3A_23#0, %parallel_loop3A_70 = %parallel_loop3A_23#1, %parallel_loop3A_71 = %parallel_loop3A_23#2, %parallel_loop3A_72 = %parallel_loop3A_23#3, %parallel_loop3A_73 = %parallel_loop3A_23#4, %parallel_loop3A_74 = %parallel_loop3A_23#5, %parallel_loop3A_75 = %parallel_loop3A_23#6, %parallel_loop3A_76 = %parallel_loop3A_23#7) -> (vector<16xf32>, vector<16xi32>, vector<16xf32>, vector<16xi32>, vector<16xf32>, vector<16xi32>, vector<16xf32>, vector<16xi32>)  : i32 {
      %parallel_loop3A_77 = arith.constant 0 : i32
      %parallel_loop3A_78 = arith.addi %parallel_loop3A_68, %parallel_loop3A_77 : i32
      %parallel_loop3A_79 = arith.constant 16 : i32
      %parallel_loop3A_80 = arith.muli %parallel_loop3A_78, %parallel_loop3A_79 : i32
      %parallel_loop3A_81 = arith.index_cast %parallel_loop3A_80 : i32 to index
      %parallel_loop3A_82 = tpu.vector_load %arg4[%parallel_loop3A_81] {strides = array<i32>} : memref<2048xf32, #tpu.memory_space<vmem>>, vector<16xf32>,
      %parallel_loop3A_83 = arith.cmpf ogt, %parallel_loop3A_82, %parallel_loop3A_69 : vector<16xf32>
      %parallel_loop3A_84 = arith.select %parallel_loop3A_83, %parallel_loop3A_82, %parallel_loop3A_69 : vector<16xi1>, vector<16xf32>
      %parallel_loop3A_85 = arith.constant 0 : i32
      %parallel_loop3A_86 = arith.addi %parallel_loop3A_68, %parallel_loop3A_85 : i32
      %parallel_loop3A_87 = vector.broadcast %parallel_loop3A_86 : i32 to vector<16xi32>
      %parallel_loop3A_88 = arith.select %parallel_loop3A_83, %parallel_loop3A_87, %parallel_loop3A_70 : vector<16xi1>, vector<16xi32>
      %parallel_loop3A_89 = arith.constant 1 : i32
      %parallel_loop3A_90 = arith.addi %parallel_loop3A_68, %parallel_loop3A_89 : i32
      %parallel_loop3A_91 = arith.constant 16 : i32
      %parallel_loop3A_92 = arith.muli %parallel_loop3A_90, %parallel_loop3A_91 : i32
      %parallel_loop3A_93 = arith.index_cast %parallel_loop3A_92 : i32 to index
      %parallel_loop3A_94 = tpu.vector_load %arg4[%parallel_loop3A_93] {strides = array<i32>} : memref<2048xf32, #tpu.memory_space<vmem>>, vector<16xf32>,
      %parallel_loop3A_95 = arith.cmpf ogt, %parallel_loop3A_94, %parallel_loop3A_71 : vector<16xf32>
      %parallel_loop3A_96 = arith.select %parallel_loop3A_95, %parallel_loop3A_94, %parallel_loop3A_71 : vector<16xi1>, vector<16xf32>
      %parallel_loop3A_97 = arith.constant 1 : i32
      %parallel_loop3A_98 = arith.addi %parallel_loop3A_68, %parallel_loop3A_97 : i32
      %parallel_loop3A_99 = vector.broadcast %parallel_loop3A_98 : i32 to vector<16xi32>
      %parallel_loop3A_100 = arith.select %parallel_loop3A_95, %parallel_loop3A_99, %parallel_loop3A_72 : vector<16xi1>, vector<16xi32>
      %parallel_loop3A_101 = arith.constant 2 : i32
      %parallel_loop3A_102 = arith.addi %parallel_loop3A_68, %parallel_loop3A_101 : i32
      %parallel_loop3A_103 = arith.constant 16 : i32
      %parallel_loop3A_104 = arith.muli %parallel_loop3A_102, %parallel_loop3A_103 : i32
      %parallel_loop3A_105 = arith.index_cast %parallel_loop3A_104 : i32 to index
      %parallel_loop3A_106 = tpu.vector_load %arg4[%parallel_loop3A_105] {strides = array<i32>} : memref<2048xf32, #tpu.memory_space<vmem>>, vector<16xf32>,
      %parallel_loop3A_107 = arith.cmpf ogt, %parallel_loop3A_106, %parallel_loop3A_73 : vector<16xf32>
      %parallel_loop3A_108 = arith.select %parallel_loop3A_107, %parallel_loop3A_106, %parallel_loop3A_73 : vector<16xi1>, vector<16xf32>
      %parallel_loop3A_109 = arith.constant 2 : i32
      %parallel_loop3A_110 = arith.addi %parallel_loop3A_68, %parallel_loop3A_109 : i32
      %parallel_loop3A_111 = vector.broadcast %parallel_loop3A_110 : i32 to vector<16xi32>
      %parallel_loop3A_112 = arith.select %parallel_loop3A_107, %parallel_loop3A_111, %parallel_loop3A_74 : vector<16xi1>, vector<16xi32>
      %parallel_loop3A_113 = arith.constant 3 : i32
      %parallel_loop3A_114 = arith.addi %parallel_loop3A_68, %parallel_loop3A_113 : i32
      %parallel_loop3A_115 = arith.constant 16 : i32
      %parallel_loop3A_116 = arith.muli %parallel_loop3A_114, %parallel_loop3A_115 : i32
      %parallel_loop3A_117 = arith.index_cast %parallel_loop3A_116 : i32 to index
      %parallel_loop3A_118 = tpu.vector_load %arg4[%parallel_loop3A_117] {strides = array<i32>} : memref<2048xf32, #tpu.memory_space<vmem>>, vector<16xf32>,
      %parallel_loop3A_119 = arith.cmpf ogt, %parallel_loop3A_118, %parallel_loop3A_75 : vector<16xf32>
      %parallel_loop3A_120 = arith.select %parallel_loop3A_119, %parallel_loop3A_118, %parallel_loop3A_75 : vector<16xi1>, vector<16xf32>
      %parallel_loop3A_121 = arith.constant 3 : i32
      %parallel_loop3A_122 = arith.addi %parallel_loop3A_68, %parallel_loop3A_121 : i32
      %parallel_loop3A_123 = vector.broadcast %parallel_loop3A_122 : i32 to vector<16xi32>
      %parallel_loop3A_124 = arith.select %parallel_loop3A_119, %parallel_loop3A_123, %parallel_loop3A_76 : vector<16xi1>, vector<16xi32>
      scf.yield %parallel_loop3A_84, %parallel_loop3A_88, %parallel_loop3A_96, %parallel_loop3A_100, %parallel_loop3A_108, %parallel_loop3A_112, %parallel_loop3A_120, %parallel_loop3A_124 : vector<16xf32>, vector<16xi32>, vector<16xf32>, vector<16xi32>, vector<16xf32>, vector<16xi32>, vector<16xf32>, vector<16xi32>
    } {sc.loop_unroll_factor = 2 : i64, sc.parallel_access}
    %gt3A = arith.cmpf ogt, %parallel_loop3A_33#2, %parallel_loop3A_33#0 : vector<16xf32>
    %eq3A = arith.cmpf oeq, %parallel_loop3A_33#2, %parallel_loop3A_33#0 : vector<16xf32>
    %lt3A = arith.cmpi slt, %parallel_loop3A_33#3, %parallel_loop3A_33#1 : vector<16xi32>
    %and3A = arith.andi %eq3A, %lt3A : vector<16xi1>
    %or3A = arith.ori %gt3A, %and3A : vector<16xi1>
    %select_n3A = arith.select %or3A, %parallel_loop3A_33#2, %parallel_loop3A_33#0 : vector<16xi1>, vector<16xf32>
    %select_n3A_34 = arith.select %or3A, %parallel_loop3A_33#3, %parallel_loop3A_33#1 : vector<16xi1>, vector<16xi32>
    %gt3A_35 = arith.cmpf ogt, %parallel_loop3A_33#6, %parallel_loop3A_33#4 : vector<16xf32>
    %eq3A_36 = arith.cmpf oeq, %parallel_loop3A_33#6, %parallel_loop3A_33#4 : vector<16xf32>
    %lt3A_37 = arith.cmpi slt, %parallel_loop3A_33#7, %parallel_loop3A_33#5 : vector<16xi32>
    %and3A_38 = arith.andi %eq3A_36, %lt3A_37 : vector<16xi1>
    %or3A_39 = arith.ori %gt3A_35, %and3A_38 : vector<16xi1>
    %select_n3A_40 = arith.select %or3A_39, %parallel_loop3A_33#6, %parallel_loop3A_33#4 : vector<16xi1>, vector<16xf32>
    %select_n3A_41 = arith.select %or3A_39, %parallel_loop3A_33#7, %parallel_loop3A_33#5 : vector<16xi1>, vector<16xi32>
    %gt3A_42 = arith.cmpf ogt, %select_n3A_40, %select_n3A : vector<16xf32>
    %eq3A_43 = arith.cmpf oeq, %select_n3A_40, %select_n3A : vector<16xf32>
    %lt3A_44 = arith.cmpi slt, %select_n3A_41, %select_n3A_34 : vector<16xi32>
    %and3A_45 = arith.andi %eq3A_43, %lt3A_44 : vector<16xi1>
    %or3A_46 = arith.ori %gt3A_42, %and3A_45 : vector<16xi1>
    %select_n3A_47 = arith.select %or3A_46, %select_n3A_40, %select_n3A : vector<16xi1>, vector<16xf32>
    %select_n3A_48 = arith.select %or3A_46, %select_n3A_41, %select_n3A_34 : vector<16xi1>, vector<16xi32>
    %mul3A_49 = arith.constant 16 : i32
    %mul3A_50 = vector.broadcast %mul3A_49 : i32 to vector<16xi32>
    %mul3A_51 = arith.muli %select_n3A_48, %mul3A_50 : vector<16xi32>
    %iota3A = tpu.iota {dimensions = array<i32: 0>} : vector<16xi32>
    %add3A_52 = vector.broadcast %mul3A_0 : i32 to vector<16xi32>
    %add3A_53 = arith.addi %iota3A, %add3A_52 : vector<16xi32>
    %add3A_54 = arith.addi %mul3A_51, %add3A_53 : vector<16xi32>
    %bitcast3A = vector.bitcast %select_n3A_47 : vector<16xf32> to vector<16xi32>
    %swap3A = arith.constant 0 : i32
    %swap3A_55 = arith.index_cast %swap3A : i32 to index
    %swap3A_56 = arith.constant 0 : index
    %swap3A_57 = tpu.vector_load %arg5[%swap3A_55, %swap3A_56] {strides = array<i32>} : memref<2x16xi32, #tpu.memory_space<vmem>>, vector<16xi32>,
    tpu.vector_store %arg5[%swap3A_55, %swap3A_56], %bitcast3A {strides = array<i32>} : memref<2x16xi32, #tpu.memory_space<vmem>>, vector<16xi32>,
    %swap3A_58 = arith.constant 1 : i32
    %swap3A_59 = arith.index_cast %swap3A_58 : i32 to index
    %swap3A_60 = arith.constant 0 : index
    %swap3A_61 = tpu.vector_load %arg5[%swap3A_59, %swap3A_60] {strides = array<i32>} : memref<2x16xi32, #tpu.memory_space<vmem>>, vector<16xi32>,
    tpu.vector_store %arg5[%swap3A_59, %swap3A_60], %add3A_54 {strides = array<i32>} : memref<2x16xi32, #tpu.memory_space<vmem>>, vector<16xi32>,
    "tpu.region"() ({
      %run_scoped3A = tpu.sem_alloc : memref<!tpu.dma_semaphore, #tpu.memory_space<semaphore_mem>>
      %dma_start3A_68 = arith.constant 0 : i32
      %dma_start3A_69 = arith.constant 0 : i32
      %dma_start3A_70 = tpu.memref_slice %arg7[%arg1, %dma_start3A_68, %dma_start3A_69] : memref<16x2x16xi32, #tpu.memory_space<vmem_shared>> -> memref<1x2x16xi32, #tpu.memory_space<vmem_shared>>
      %dma_start3A_71 = tpu.memref_squeeze %dma_start3A_70 : memref<1x2x16xi32, #tpu.memory_space<vmem_shared>> -> memref<2x16xi32, #tpu.memory_space<vmem_shared>>
      %dma_start3A_72 = arith.constant 0 : i32
      %dma_start3A_73 = arith.constant 0 : i32
      %dma_start3A_74 = tpu.memref_slice %arg7[%arg1, %dma_start3A_72, %dma_start3A_73] : memref<16x2x16xi32, #tpu.memory_space<vmem_shared>> -> memref<1x2x16xi32, #tpu.memory_space<vmem_shared>>
      %dma_start3A_75 = tpu.memref_squeeze %dma_start3A_74 : memref<1x2x16xi32, #tpu.memory_space<vmem_shared>> -> memref<2x16xi32, #tpu.memory_space<vmem_shared>>
      tpu.enqueue_dma source(%arg5 : memref<2x16xi32, #tpu.memory_space<vmem>>) target(%dma_start3A_75 : memref<2x16xi32, #tpu.memory_space<vmem_shared>>) target_semaphore(%run_scoped3A : memref<!tpu.dma_semaphore, #tpu.memory_space<semaphore_mem>>)
      %dma_wait3A_76 = arith.constant 0 : i32
      %dma_wait3A_77 = arith.constant 0 : i32
      %dma_wait3A_78 = tpu.memref_slice %arg7[%arg1, %dma_wait3A_76, %dma_wait3A_77] : memref<16x2x16xi32, #tpu.memory_space<vmem_shared>> -> memref<1x2x16xi32, #tpu.memory_space<vmem_shared>>
      %dma_wait3A_79 = tpu.memref_squeeze %dma_wait3A_78 : memref<1x2x16xi32, #tpu.memory_space<vmem_shared>> -> memref<2x16xi32, #tpu.memory_space<vmem_shared>>
      %dma_wait3A_80 = arith.constant 0 : i32
      %dma_wait3A_81 = arith.constant 0 : i32
      %dma_wait3A_82 = tpu.memref_slice %arg7[%arg1, %dma_wait3A_80, %dma_wait3A_81] : memref<16x2x16xi32, #tpu.memory_space<vmem_shared>> -> memref<1x2x16xi32, #tpu.memory_space<vmem_shared>>
      %dma_wait3A_83 = tpu.memref_squeeze %dma_wait3A_82 : memref<1x2x16xi32, #tpu.memory_space<vmem_shared>> -> memref<2x16xi32, #tpu.memory_space<vmem_shared>>
      tpu.wait_dma2 semaphore(%run_scoped3A : memref<!tpu.dma_semaphore, #tpu.memory_space<semaphore_mem>>) src(%arg5 : memref<2x16xi32, #tpu.memory_space<vmem>>) dst(%dma_wait3A_83 : memref<2x16xi32, #tpu.memory_space<vmem_shared>>)
      tpu.yield
    }) : () -> ()
    %barrier3A = arith.constant 0 : index
    tpu.barrier barrier_id(%barrier3A)
    %eq3A_62 = arith.constant 0 : i32
    %eq3A_63 = arith.cmpi eq, %arg0, %eq3A_62 : i32
    %eq3A_64 = arith.constant 0 : i32
    %eq3A_65 = arith.cmpi eq, %arg1, %eq3A_64 : i32
    %and3A_66 = arith.andi %eq3A_63, %eq3A_65 : i1
    %convert_element_type3A = arith.extui %and3A_66 : i1 to i32
    %cond3A = arith.constant 0 : i32
    %cond3A_67 = arith.cmpi ne, %convert_element_type3A, %cond3A : i32
    scf.if %cond3A_67 {
      "tpu.region"() ({
        %run_scoped3A = tpu.sem_alloc : memref<!tpu.dma_semaphore, #tpu.memory_space<semaphore_mem>>
        tpu.enqueue_dma source(%arg7 : memref<16x2x16xi32, #tpu.memory_space<vmem_shared>>) target(%arg6 : memref<16x2x16xi32, #tpu.memory_space<vmem>>) target_semaphore(%run_scoped3A : memref<!tpu.dma_semaphore, #tpu.memory_space<semaphore_mem>>)
        tpu.wait_dma2 semaphore(%run_scoped3A : memref<!tpu.dma_semaphore, #tpu.memory_space<semaphore_mem>>) src(%arg7 : memref<16x2x16xi32, #tpu.memory_space<vmem_shared>>) dst(%arg6 : memref<16x2x16xi32, #tpu.memory_space<vmem>>)
        tpu.yield
      }) : () -> ()
      %get3A = arith.constant 0 : i32
      %get3A_68 = arith.constant 0 : i32
      %get3A_69 = arith.index_cast %get3A : i32 to index
      %get3A_70 = arith.index_cast %get3A_68 : i32 to index
      %get3A_71 = arith.constant 0 : index
      %get3A_72 = tpu.vector_load %arg6[%get3A_69, %get3A_70, %get3A_71] {strides = array<i32>} : memref<16x2x16xi32, #tpu.memory_space<vmem>>, vector<16xi32>,
      %bitcast3A_73 = vector.bitcast %get3A_72 : vector<16xi32> to vector<16xf32>
      %get3A_74 = arith.constant 1 : i32
      %get3A_75 = arith.constant 0 : i32
      %get3A_76 = arith.index_cast %get3A_74 : i32 to index
      %get3A_77 = arith.index_cast %get3A_75 : i32 to index
      %get3A_78 = arith.constant 0 : index
      %get3A_79 = tpu.vector_load %arg6[%get3A_76, %get3A_77, %get3A_78] {strides = array<i32>} : memref<16x2x16xi32, #tpu.memory_space<vmem>>, vector<16xi32>,
      %bitcast3A_80 = vector.bitcast %get3A_79 : vector<16xi32> to vector<16xf32>
      %get3A_81 = arith.constant 2 : i32
      %get3A_82 = arith.constant 0 : i32
      %get3A_83 = arith.index_cast %get3A_81 : i32 to index
      %get3A_84 = arith.index_cast %get3A_82 : i32 to index
      %get3A_85 = arith.constant 0 : index
      %get3A_86 = tpu.vector_load %arg6[%get3A_83, %get3A_84, %get3A_85] {strides = array<i32>} : memref<16x2x16xi32, #tpu.memory_space<vmem>>, vector<16xi32>,
      %bitcast3A_87 = vector.bitcast %get3A_86 : vector<16xi32> to vector<16xf32>
      %get3A_88 = arith.constant 3 : i32
      %get3A_89 = arith.constant 0 : i32
      %get3A_90 = arith.index_cast %get3A_88 : i32 to index
      %get3A_91 = arith.index_cast %get3A_89 : i32 to index
      %get3A_92 = arith.constant 0 : index
      %get3A_93 = tpu.vector_load %arg6[%get3A_90, %get3A_91, %get3A_92] {strides = array<i32>} : memref<16x2x16xi32, #tpu.memory_space<vmem>>, vector<16xi32>,
      %bitcast3A_94 = vector.bitcast %get3A_93 : vector<16xi32> to vector<16xf32>
      %get3A_95 = arith.constant 4 : i32
      %get3A_96 = arith.constant 0 : i32
      %get3A_97 = arith.index_cast %get3A_95 : i32 to index
      %get3A_98 = arith.index_cast %get3A_96 : i32 to index
      %get3A_99 = arith.constant 0 : index
      %get3A_100 = tpu.vector_load %arg6[%get3A_97, %get3A_98, %get3A_99] {strides = array<i32>} : memref<16x2x16xi32, #tpu.memory_space<vmem>>, vector<16xi32>,
      %bitcast3A_101 = vector.bitcast %get3A_100 : vector<16xi32> to vector<16xf32>
      %get3A_102 = arith.constant 5 : i32
      %get3A_103 = arith.constant 0 : i32
      %get3A_104 = arith.index_cast %get3A_102 : i32 to index
      %get3A_105 = arith.index_cast %get3A_103 : i32 to index
      %get3A_106 = arith.constant 0 : index
      %get3A_107 = tpu.vector_load %arg6[%get3A_104, %get3A_105, %get3A_106] {strides = array<i32>} : memref<16x2x16xi32, #tpu.memory_space<vmem>>, vector<16xi32>,
      %bitcast3A_108 = vector.bitcast %get3A_107 : vector<16xi32> to vector<16xf32>
      %get3A_109 = arith.constant 6 : i32
      %get3A_110 = arith.constant 0 : i32
      %get3A_111 = arith.index_cast %get3A_109 : i32 to index
      %get3A_112 = arith.index_cast %get3A_110 : i32 to index
      %get3A_113 = arith.constant 0 : index
      %get3A_114 = tpu.vector_load %arg6[%get3A_111, %get3A_112, %get3A_113] {strides = array<i32>} : memref<16x2x16xi32, #tpu.memory_space<vmem>>, vector<16xi32>,
      %bitcast3A_115 = vector.bitcast %get3A_114 : vector<16xi32> to vector<16xf32>
      %get3A_116 = arith.constant 7 : i32
      %get3A_117 = arith.constant 0 : i32
      %get3A_118 = arith.index_cast %get3A_116 : i32 to index
      %get3A_119 = arith.index_cast %get3A_117 : i32 to index
      %get3A_120 = arith.constant 0 : index
      %get3A_121 = tpu.vector_load %arg6[%get3A_118, %get3A_119, %get3A_120] {strides = array<i32>} : memref<16x2x16xi32, #tpu.memory_space<vmem>>, vector<16xi32>,
      %bitcast3A_122 = vector.bitcast %get3A_121 : vector<16xi32> to vector<16xf32>
      %get3A_123 = arith.constant 8 : i32
      %get3A_124 = arith.constant 0 : i32
      %get3A_125 = arith.index_cast %get3A_123 : i32 to index
      %get3A_126 = arith.index_cast %get3A_124 : i32 to index
      %get3A_127 = arith.constant 0 : index
      %get3A_128 = tpu.vector_load %arg6[%get3A_125, %get3A_126, %get3A_127] {strides = array<i32>} : memref<16x2x16xi32, #tpu.memory_space<vmem>>, vector<16xi32>,
      %bitcast3A_129 = vector.bitcast %get3A_128 : vector<16xi32> to vector<16xf32>
      %get3A_130 = arith.constant 9 : i32
      %get3A_131 = arith.constant 0 : i32
      %get3A_132 = arith.index_cast %get3A_130 : i32 to index
      %get3A_133 = arith.index_cast %get3A_131 : i32 to index
      %get3A_134 = arith.constant 0 : index
      %get3A_135 = tpu.vector_load %arg6[%get3A_132, %get3A_133, %get3A_134] {strides = array<i32>} : memref<16x2x16xi32, #tpu.memory_space<vmem>>, vector<16xi32>,
      %bitcast3A_136 = vector.bitcast %get3A_135 : vector<16xi32> to vector<16xf32>
      %get3A_137 = arith.constant 10 : i32
      %get3A_138 = arith.constant 0 : i32
      %get3A_139 = arith.index_cast %get3A_137 : i32 to index
      %get3A_140 = arith.index_cast %get3A_138 : i32 to index
      %get3A_141 = arith.constant 0 : index
      %get3A_142 = tpu.vector_load %arg6[%get3A_139, %get3A_140, %get3A_141] {strides = array<i32>} : memref<16x2x16xi32, #tpu.memory_space<vmem>>, vector<16xi32>,
      %bitcast3A_143 = vector.bitcast %get3A_142 : vector<16xi32> to vector<16xf32>
      %get3A_144 = arith.constant 11 : i32
      %get3A_145 = arith.constant 0 : i32
      %get3A_146 = arith.index_cast %get3A_144 : i32 to index
      %get3A_147 = arith.index_cast %get3A_145 : i32 to index
      %get3A_148 = arith.constant 0 : index
      %get3A_149 = tpu.vector_load %arg6[%get3A_146, %get3A_147, %get3A_148] {strides = array<i32>} : memref<16x2x16xi32, #tpu.memory_space<vmem>>, vector<16xi32>,
      %bitcast3A_150 = vector.bitcast %get3A_149 : vector<16xi32> to vector<16xf32>
      %get3A_151 = arith.constant 12 : i32
      %get3A_152 = arith.constant 0 : i32
      %get3A_153 = arith.index_cast %get3A_151 : i32 to index
      %get3A_154 = arith.index_cast %get3A_152 : i32 to index
      %get3A_155 = arith.constant 0 : index
      %get3A_156 = tpu.vector_load %arg6[%get3A_153, %get3A_154, %get3A_155] {strides = array<i32>} : memref<16x2x16xi32, #tpu.memory_space<vmem>>, vector<16xi32>,
      %bitcast3A_157 = vector.bitcast %get3A_156 : vector<16xi32> to vector<16xf32>
      %get3A_158 = arith.constant 13 : i32
      %get3A_159 = arith.constant 0 : i32
      %get3A_160 = arith.index_cast %get3A_158 : i32 to index
      %get3A_161 = arith.index_cast %get3A_159 : i32 to index
      %get3A_162 = arith.constant 0 : index
      %get3A_163 = tpu.vector_load %arg6[%get3A_160, %get3A_161, %get3A_162] {strides = array<i32>} : memref<16x2x16xi32, #tpu.memory_space<vmem>>, vector<16xi32>,
      %bitcast3A_164 = vector.bitcast %get3A_163 : vector<16xi32> to vector<16xf32>
      %get3A_165 = arith.constant 14 : i32
      %get3A_166 = arith.constant 0 : i32
      %get3A_167 = arith.index_cast %get3A_165 : i32 to index
      %get3A_168 = arith.index_cast %get3A_166 : i32 to index
      %get3A_169 = arith.constant 0 : index
      %get3A_170 = tpu.vector_load %arg6[%get3A_167, %get3A_168, %get3A_169] {strides = array<i32>} : memref<16x2x16xi32, #tpu.memory_space<vmem>>, vector<16xi32>,
      %bitcast3A_171 = vector.bitcast %get3A_170 : vector<16xi32> to vector<16xf32>
      %get3A_172 = arith.constant 15 : i32
      %get3A_173 = arith.constant 0 : i32
      %get3A_174 = arith.index_cast %get3A_172 : i32 to index
      %get3A_175 = arith.index_cast %get3A_173 : i32 to index
      %get3A_176 = arith.constant 0 : index
      %get3A_177 = tpu.vector_load %arg6[%get3A_174, %get3A_175, %get3A_176] {strides = array<i32>} : memref<16x2x16xi32, #tpu.memory_space<vmem>>, vector<16xi32>,
      %bitcast3A_178 = vector.bitcast %get3A_177 : vector<16xi32> to vector<16xf32>
      %get3A_179 = arith.constant 0 : i32
      %get3A_180 = arith.constant 1 : i32
      %get3A_181 = arith.index_cast %get3A_179 : i32 to index
      %get3A_182 = arith.index_cast %get3A_180 : i32 to index
      %get3A_183 = arith.constant 0 : index
      %get3A_184 = tpu.vector_load %arg6[%get3A_181, %get3A_182, %get3A_183] {strides = array<i32>} : memref<16x2x16xi32, #tpu.memory_space<vmem>>, vector<16xi32>,
      %get3A_185 = arith.constant 1 : i32
      %get3A_186 = arith.constant 1 : i32
      %get3A_187 = arith.index_cast %get3A_185 : i32 to index
      %get3A_188 = arith.index_cast %get3A_186 : i32 to index
      %get3A_189 = arith.constant 0 : index
      %get3A_190 = tpu.vector_load %arg6[%get3A_187, %get3A_188, %get3A_189] {strides = array<i32>} : memref<16x2x16xi32, #tpu.memory_space<vmem>>, vector<16xi32>,
      %get3A_191 = arith.constant 2 : i32
      %get3A_192 = arith.constant 1 : i32
      %get3A_193 = arith.index_cast %get3A_191 : i32 to index
      %get3A_194 = arith.index_cast %get3A_192 : i32 to index
      %get3A_195 = arith.constant 0 : index
      %get3A_196 = tpu.vector_load %arg6[%get3A_193, %get3A_194, %get3A_195] {strides = array<i32>} : memref<16x2x16xi32, #tpu.memory_space<vmem>>, vector<16xi32>,
      %get3A_197 = arith.constant 3 : i32
      %get3A_198 = arith.constant 1 : i32
      %get3A_199 = arith.index_cast %get3A_197 : i32 to index
      %get3A_200 = arith.index_cast %get3A_198 : i32 to index
      %get3A_201 = arith.constant 0 : index
      %get3A_202 = tpu.vector_load %arg6[%get3A_199, %get3A_200, %get3A_201] {strides = array<i32>} : memref<16x2x16xi32, #tpu.memory_space<vmem>>, vector<16xi32>,
      %get3A_203 = arith.constant 4 : i32
      %get3A_204 = arith.constant 1 : i32
      %get3A_205 = arith.index_cast %get3A_203 : i32 to index
      %get3A_206 = arith.index_cast %get3A_204 : i32 to index
      %get3A_207 = arith.constant 0 : index
      %get3A_208 = tpu.vector_load %arg6[%get3A_205, %get3A_206, %get3A_207] {strides = array<i32>} : memref<16x2x16xi32, #tpu.memory_space<vmem>>, vector<16xi32>,
      %get3A_209 = arith.constant 5 : i32
      %get3A_210 = arith.constant 1 : i32
      %get3A_211 = arith.index_cast %get3A_209 : i32 to index
      %get3A_212 = arith.index_cast %get3A_210 : i32 to index
      %get3A_213 = arith.constant 0 : index
      %get3A_214 = tpu.vector_load %arg6[%get3A_211, %get3A_212, %get3A_213] {strides = array<i32>} : memref<16x2x16xi32, #tpu.memory_space<vmem>>, vector<16xi32>,
      %get3A_215 = arith.constant 6 : i32
      %get3A_216 = arith.constant 1 : i32
      %get3A_217 = arith.index_cast %get3A_215 : i32 to index
      %get3A_218 = arith.index_cast %get3A_216 : i32 to index
      %get3A_219 = arith.constant 0 : index
      %get3A_220 = tpu.vector_load %arg6[%get3A_217, %get3A_218, %get3A_219] {strides = array<i32>} : memref<16x2x16xi32, #tpu.memory_space<vmem>>, vector<16xi32>,
      %get3A_221 = arith.constant 7 : i32
      %get3A_222 = arith.constant 1 : i32
      %get3A_223 = arith.index_cast %get3A_221 : i32 to index
      %get3A_224 = arith.index_cast %get3A_222 : i32 to index
      %get3A_225 = arith.constant 0 : index
      %get3A_226 = tpu.vector_load %arg6[%get3A_223, %get3A_224, %get3A_225] {strides = array<i32>} : memref<16x2x16xi32, #tpu.memory_space<vmem>>, vector<16xi32>,
      %get3A_227 = arith.constant 8 : i32
      %get3A_228 = arith.constant 1 : i32
      %get3A_229 = arith.index_cast %get3A_227 : i32 to index
      %get3A_230 = arith.index_cast %get3A_228 : i32 to index
      %get3A_231 = arith.constant 0 : index
      %get3A_232 = tpu.vector_load %arg6[%get3A_229, %get3A_230, %get3A_231] {strides = array<i32>} : memref<16x2x16xi32, #tpu.memory_space<vmem>>, vector<16xi32>,
      %get3A_233 = arith.constant 9 : i32
      %get3A_234 = arith.constant 1 : i32
      %get3A_235 = arith.index_cast %get3A_233 : i32 to index
      %get3A_236 = arith.index_cast %get3A_234 : i32 to index
      %get3A_237 = arith.constant 0 : index
      %get3A_238 = tpu.vector_load %arg6[%get3A_235, %get3A_236, %get3A_237] {strides = array<i32>} : memref<16x2x16xi32, #tpu.memory_space<vmem>>, vector<16xi32>,
      %get3A_239 = arith.constant 10 : i32
      %get3A_240 = arith.constant 1 : i32
      %get3A_241 = arith.index_cast %get3A_239 : i32 to index
      %get3A_242 = arith.index_cast %get3A_240 : i32 to index
      %get3A_243 = arith.constant 0 : index
      %get3A_244 = tpu.vector_load %arg6[%get3A_241, %get3A_242, %get3A_243] {strides = array<i32>} : memref<16x2x16xi32, #tpu.memory_space<vmem>>, vector<16xi32>,
      %get3A_245 = arith.constant 11 : i32
      %get3A_246 = arith.constant 1 : i32
      %get3A_247 = arith.index_cast %get3A_245 : i32 to index
      %get3A_248 = arith.index_cast %get3A_246 : i32 to index
      %get3A_249 = arith.constant 0 : index
      %get3A_250 = tpu.vector_load %arg6[%get3A_247, %get3A_248, %get3A_249] {strides = array<i32>} : memref<16x2x16xi32, #tpu.memory_space<vmem>>, vector<16xi32>,
      %get3A_251 = arith.constant 12 : i32
      %get3A_252 = arith.constant 1 : i32
      %get3A_253 = arith.index_cast %get3A_251 : i32 to index
      %get3A_254 = arith.index_cast %get3A_252 : i32 to index
      %get3A_255 = arith.constant 0 : index
      %get3A_256 = tpu.vector_load %arg6[%get3A_253, %get3A_254, %get3A_255] {strides = array<i32>} : memref<16x2x16xi32, #tpu.memory_space<vmem>>, vector<16xi32>,
      %get3A_257 = arith.constant 13 : i32
      %get3A_258 = arith.constant 1 : i32
      %get3A_259 = arith.index_cast %get3A_257 : i32 to index
      %get3A_260 = arith.index_cast %get3A_258 : i32 to index
      %get3A_261 = arith.constant 0 : index
      %get3A_262 = tpu.vector_load %arg6[%get3A_259, %get3A_260, %get3A_261] {strides = array<i32>} : memref<16x2x16xi32, #tpu.memory_space<vmem>>, vector<16xi32>,
      %get3A_263 = arith.constant 14 : i32
      %get3A_264 = arith.constant 1 : i32
      %get3A_265 = arith.index_cast %get3A_263 : i32 to index
      %get3A_266 = arith.index_cast %get3A_264 : i32 to index
      %get3A_267 = arith.constant 0 : index
      %get3A_268 = tpu.vector_load %arg6[%get3A_265, %get3A_266, %get3A_267] {strides = array<i32>} : memref<16x2x16xi32, #tpu.memory_space<vmem>>, vector<16xi32>,
      %get3A_269 = arith.constant 15 : i32
      %get3A_270 = arith.constant 1 : i32
      %get3A_271 = arith.index_cast %get3A_269 : i32 to index
      %get3A_272 = arith.index_cast %get3A_270 : i32 to index
      %get3A_273 = arith.constant 0 : index
      %get3A_274 = tpu.vector_load %arg6[%get3A_271, %get3A_272, %get3A_273] {strides = array<i32>} : memref<16x2x16xi32, #tpu.memory_space<vmem>>, vector<16xi32>,
      %max3A = arith.maximumf %bitcast3A_73, %bitcast3A_80 : vector<16xf32>
      %max3A_275 = arith.maximumf %bitcast3A_87, %bitcast3A_94 : vector<16xf32>
      %max3A_276 = arith.maximumf %bitcast3A_101, %bitcast3A_108 : vector<16xf32>
      %max3A_277 = arith.maximumf %bitcast3A_115, %bitcast3A_122 : vector<16xf32>
      %max3A_278 = arith.maximumf %bitcast3A_129, %bitcast3A_136 : vector<16xf32>
      %max3A_279 = arith.maximumf %bitcast3A_143, %bitcast3A_150 : vector<16xf32>
      %max3A_280 = arith.maximumf %bitcast3A_157, %bitcast3A_164 : vector<16xf32>
      %max3A_281 = arith.maximumf %bitcast3A_171, %bitcast3A_178 : vector<16xf32>
      %max3A_282 = arith.maximumf %max3A, %max3A_275 : vector<16xf32>
      %max3A_283 = arith.maximumf %max3A_276, %max3A_277 : vector<16xf32>
      %max3A_284 = arith.maximumf %max3A_278, %max3A_279 : vector<16xf32>
      %max3A_285 = arith.maximumf %max3A_280, %max3A_281 : vector<16xf32>
      %max3A_286 = arith.maximumf %max3A_282, %max3A_283 : vector<16xf32>
      %max3A_287 = arith.maximumf %max3A_284, %max3A_285 : vector<16xf32>
      %max3A_288 = arith.maximumf %max3A_286, %max3A_287 : vector<16xf32>
      %reduce_max3A = arith.constant true
      %reduce_max3A_289 = vector.broadcast %reduce_max3A : i1 to vector<16xi1>
      %reduce_max3A_290 = tpu.scan <max>, %max3A_288 masked %reduce_max3A_289 : vector<16xf32>, vector<16xi1> -> vector<16xf32>
      %reduce_max3A_291 = vector.extract %reduce_max3A_290[15] : f32 from vector<16xf32>
      %broadcast_in_dim3A_292 = vector.broadcast %reduce_max3A_291 : f32 to vector<16xf32>
      %broadcast_in_dim3A_293 = arith.constant 1073741824 : i32
      %broadcast_in_dim3A_294 = vector.broadcast %broadcast_in_dim3A_293 : i32 to vector<16xi32>
      %eq3A_295 = arith.cmpf oeq, %bitcast3A_73, %broadcast_in_dim3A_292 : vector<16xf32>
      %select_n3A_296 = arith.select %eq3A_295, %get3A_184, %broadcast_in_dim3A_294 : vector<16xi1>, vector<16xi32>
      %eq3A_297 = arith.cmpf oeq, %bitcast3A_80, %broadcast_in_dim3A_292 : vector<16xf32>
      %select_n3A_298 = arith.select %eq3A_297, %get3A_190, %broadcast_in_dim3A_294 : vector<16xi1>, vector<16xi32>
      %eq3A_299 = arith.cmpf oeq, %bitcast3A_87, %broadcast_in_dim3A_292 : vector<16xf32>
      %select_n3A_300 = arith.select %eq3A_299, %get3A_196, %broadcast_in_dim3A_294 : vector<16xi1>, vector<16xi32>
      %eq3A_301 = arith.cmpf oeq, %bitcast3A_94, %broadcast_in_dim3A_292 : vector<16xf32>
      %select_n3A_302 = arith.select %eq3A_301, %get3A_202, %broadcast_in_dim3A_294 : vector<16xi1>, vector<16xi32>
      %eq3A_303 = arith.cmpf oeq, %bitcast3A_101, %broadcast_in_dim3A_292 : vector<16xf32>
      %select_n3A_304 = arith.select %eq3A_303, %get3A_208, %broadcast_in_dim3A_294 : vector<16xi1>, vector<16xi32>
      %eq3A_305 = arith.cmpf oeq, %bitcast3A_108, %broadcast_in_dim3A_292 : vector<16xf32>
      %select_n3A_306 = arith.select %eq3A_305, %get3A_214, %broadcast_in_dim3A_294 : vector<16xi1>, vector<16xi32>
      %eq3A_307 = arith.cmpf oeq, %bitcast3A_115, %broadcast_in_dim3A_292 : vector<16xf32>
      %select_n3A_308 = arith.select %eq3A_307, %get3A_220, %broadcast_in_dim3A_294 : vector<16xi1>, vector<16xi32>
      %eq3A_309 = arith.cmpf oeq, %bitcast3A_122, %broadcast_in_dim3A_292 : vector<16xf32>
      %select_n3A_310 = arith.select %eq3A_309, %get3A_226, %broadcast_in_dim3A_294 : vector<16xi1>, vector<16xi32>
      %eq3A_311 = arith.cmpf oeq, %bitcast3A_129, %broadcast_in_dim3A_292 : vector<16xf32>
      %select_n3A_312 = arith.select %eq3A_311, %get3A_232, %broadcast_in_dim3A_294 : vector<16xi1>, vector<16xi32>
      %eq3A_313 = arith.cmpf oeq, %bitcast3A_136, %broadcast_in_dim3A_292 : vector<16xf32>
      %select_n3A_314 = arith.select %eq3A_313, %get3A_238, %broadcast_in_dim3A_294 : vector<16xi1>, vector<16xi32>
      %eq3A_315 = arith.cmpf oeq, %bitcast3A_143, %broadcast_in_dim3A_292 : vector<16xf32>
      %select_n3A_316 = arith.select %eq3A_315, %get3A_244, %broadcast_in_dim3A_294 : vector<16xi1>, vector<16xi32>
      %eq3A_317 = arith.cmpf oeq, %bitcast3A_150, %broadcast_in_dim3A_292 : vector<16xf32>
      %select_n3A_318 = arith.select %eq3A_317, %get3A_250, %broadcast_in_dim3A_294 : vector<16xi1>, vector<16xi32>
      %eq3A_319 = arith.cmpf oeq, %bitcast3A_157, %broadcast_in_dim3A_292 : vector<16xf32>
      %select_n3A_320 = arith.select %eq3A_319, %get3A_256, %broadcast_in_dim3A_294 : vector<16xi1>, vector<16xi32>
      %eq3A_321 = arith.cmpf oeq, %bitcast3A_164, %broadcast_in_dim3A_292 : vector<16xf32>
      %select_n3A_322 = arith.select %eq3A_321, %get3A_262, %broadcast_in_dim3A_294 : vector<16xi1>, vector<16xi32>
      %eq3A_323 = arith.cmpf oeq, %bitcast3A_171, %broadcast_in_dim3A_292 : vector<16xf32>
      %select_n3A_324 = arith.select %eq3A_323, %get3A_268, %broadcast_in_dim3A_294 : vector<16xi1>, vector<16xi32>
      %eq3A_325 = arith.cmpf oeq, %bitcast3A_178, %broadcast_in_dim3A_292 : vector<16xf32>
      %select_n3A_326 = arith.select %eq3A_325, %get3A_274, %broadcast_in_dim3A_294 : vector<16xi1>, vector<16xi32>
      %min3A = arith.minsi %select_n3A_296, %select_n3A_298 : vector<16xi32>
      %min3A_327 = arith.minsi %select_n3A_300, %select_n3A_302 : vector<16xi32>
      %min3A_328 = arith.minsi %select_n3A_304, %select_n3A_306 : vector<16xi32>
      %min3A_329 = arith.minsi %select_n3A_308, %select_n3A_310 : vector<16xi32>
      %min3A_330 = arith.minsi %select_n3A_312, %select_n3A_314 : vector<16xi32>
      %min3A_331 = arith.minsi %select_n3A_316, %select_n3A_318 : vector<16xi32>
      %min3A_332 = arith.minsi %select_n3A_320, %select_n3A_322 : vector<16xi32>
      %min3A_333 = arith.minsi %select_n3A_324, %select_n3A_326 : vector<16xi32>
      %min3A_334 = arith.minsi %min3A, %min3A_327 : vector<16xi32>
      %min3A_335 = arith.minsi %min3A_328, %min3A_329 : vector<16xi32>
      %min3A_336 = arith.minsi %min3A_330, %min3A_331 : vector<16xi32>
      %min3A_337 = arith.minsi %min3A_332, %min3A_333 : vector<16xi32>
      %min3A_338 = arith.minsi %min3A_334, %min3A_335 : vector<16xi32>
      %min3A_339 = arith.minsi %min3A_336, %min3A_337 : vector<16xi32>
      %min3A_340 = arith.minsi %min3A_338, %min3A_339 : vector<16xi32>
      %reduce_min3A = arith.constant true
      %reduce_min3A_341 = vector.broadcast %reduce_min3A : i1 to vector<16xi1>
      %reduce_min3A_342 = arith.constant -2147483648 : i32
      %reduce_min3A_343 = vector.broadcast %reduce_min3A_342 : i32 to vector<16xi32>
      %reduce_min3A_344 = arith.xori %min3A_340, %reduce_min3A_343 : vector<16xi32>
      %reduce_min3A_345 = tpu.scan <min>, %reduce_min3A_344 masked %reduce_min3A_341 : vector<16xi32>, vector<16xi1> -> vector<16xi32>
      %reduce_min3A_346 = arith.xori %reduce_min3A_345, %reduce_min3A_343 : vector<16xi32>
      %reduce_min3A_347 = vector.extract %reduce_min3A_346[15] : i32 from vector<16xi32>
      %eq3A_348 = arith.cmpf oeq, %bitcast3A_73, %broadcast_in_dim3A_292 : vector<16xf32>
      %select_n3A_349 = arith.select %eq3A_348, %get3A_184, %broadcast_in_dim3A_294 : vector<16xi1>, vector<16xi32>
      %eq3A_350 = arith.cmpf oeq, %bitcast3A_80, %broadcast_in_dim3A_292 : vector<16xf32>
      %select_n3A_351 = arith.select %eq3A_350, %get3A_190, %broadcast_in_dim3A_294 : vector<16xi1>, vector<16xi32>
      %eq3A_352 = arith.cmpf oeq, %bitcast3A_87, %broadcast_in_dim3A_292 : vector<16xf32>
      %select_n3A_353 = arith.select %eq3A_352, %get3A_196, %broadcast_in_dim3A_294 : vector<16xi1>, vector<16xi32>
      %eq3A_354 = arith.cmpf oeq, %bitcast3A_94, %broadcast_in_dim3A_292 : vector<16xf32>
      %select_n3A_355 = arith.select %eq3A_354, %get3A_202, %broadcast_in_dim3A_294 : vector<16xi1>, vector<16xi32>
      %eq3A_356 = arith.cmpf oeq, %bitcast3A_101, %broadcast_in_dim3A_292 : vector<16xf32>
      %select_n3A_357 = arith.select %eq3A_356, %get3A_208, %broadcast_in_dim3A_294 : vector<16xi1>, vector<16xi32>
      %eq3A_358 = arith.cmpf oeq, %bitcast3A_108, %broadcast_in_dim3A_292 : vector<16xf32>
      %select_n3A_359 = arith.select %eq3A_358, %get3A_214, %broadcast_in_dim3A_294 : vector<16xi1>, vector<16xi32>
      %eq3A_360 = arith.cmpf oeq, %bitcast3A_115, %broadcast_in_dim3A_292 : vector<16xf32>
      %select_n3A_361 = arith.select %eq3A_360, %get3A_220, %broadcast_in_dim3A_294 : vector<16xi1>, vector<16xi32>
      %eq3A_362 = arith.cmpf oeq, %bitcast3A_122, %broadcast_in_dim3A_292 : vector<16xf32>
      %select_n3A_363 = arith.select %eq3A_362, %get3A_226, %broadcast_in_dim3A_294 : vector<16xi1>, vector<16xi32>
      %eq3A_364 = arith.cmpf oeq, %bitcast3A_129, %broadcast_in_dim3A_292 : vector<16xf32>
      %select_n3A_365 = arith.select %eq3A_364, %get3A_232, %broadcast_in_dim3A_294 : vector<16xi1>, vector<16xi32>
      %eq3A_366 = arith.cmpf oeq, %bitcast3A_136, %broadcast_in_dim3A_292 : vector<16xf32>
      %select_n3A_367 = arith.select %eq3A_366, %get3A_238, %broadcast_in_dim3A_294 : vector<16xi1>, vector<16xi32>
      %eq3A_368 = arith.cmpf oeq, %bitcast3A_143, %broadcast_in_dim3A_292 : vector<16xf32>
      %select_n3A_369 = arith.select %eq3A_368, %get3A_244, %broadcast_in_dim3A_294 : vector<16xi1>, vector<16xi32>
      %eq3A_370 = arith.cmpf oeq, %bitcast3A_150, %broadcast_in_dim3A_292 : vector<16xf32>
      %select_n3A_371 = arith.select %eq3A_370, %get3A_250, %broadcast_in_dim3A_294 : vector<16xi1>, vector<16xi32>
      %eq3A_372 = arith.cmpf oeq, %bitcast3A_157, %broadcast_in_dim3A_292 : vector<16xf32>
      %select_n3A_373 = arith.select %eq3A_372, %get3A_256, %broadcast_in_dim3A_294 : vector<16xi1>, vector<16xi32>
      %eq3A_374 = arith.cmpf oeq, %bitcast3A_164, %broadcast_in_dim3A_292 : vector<16xf32>
      %select_n3A_375 = arith.select %eq3A_374, %get3A_262, %broadcast_in_dim3A_294 : vector<16xi1>, vector<16xi32>
      %eq3A_376 = arith.cmpf oeq, %bitcast3A_171, %broadcast_in_dim3A_292 : vector<16xf32>
      %select_n3A_377 = arith.select %eq3A_376, %get3A_268, %broadcast_in_dim3A_294 : vector<16xi1>, vector<16xi32>
      %eq3A_378 = arith.cmpf oeq, %bitcast3A_178, %broadcast_in_dim3A_292 : vector<16xf32>
      %select_n3A_379 = arith.select %eq3A_378, %get3A_274, %broadcast_in_dim3A_294 : vector<16xi1>, vector<16xi32>
      %min3A_380 = arith.minsi %select_n3A_349, %select_n3A_351 : vector<16xi32>
      %min3A_381 = arith.minsi %select_n3A_353, %select_n3A_355 : vector<16xi32>
      %min3A_382 = arith.minsi %select_n3A_357, %select_n3A_359 : vector<16xi32>
      %min3A_383 = arith.minsi %select_n3A_361, %select_n3A_363 : vector<16xi32>
      %min3A_384 = arith.minsi %select_n3A_365, %select_n3A_367 : vector<16xi32>
      %min3A_385 = arith.minsi %select_n3A_369, %select_n3A_371 : vector<16xi32>
      %min3A_386 = arith.minsi %select_n3A_373, %select_n3A_375 : vector<16xi32>
      %min3A_387 = arith.minsi %select_n3A_377, %select_n3A_379 : vector<16xi32>
      %min3A_388 = arith.minsi %min3A_380, %min3A_381 : vector<16xi32>
      %min3A_389 = arith.minsi %min3A_382, %min3A_383 : vector<16xi32>
      %min3A_390 = arith.minsi %min3A_384, %min3A_385 : vector<16xi32>
      %min3A_391 = arith.minsi %min3A_386, %min3A_387 : vector<16xi32>
      %min3A_392 = arith.minsi %min3A_388, %min3A_389 : vector<16xi32>
      %min3A_393 = arith.minsi %min3A_390, %min3A_391 : vector<16xi32>
      %min3A_394 = arith.minsi %min3A_392, %min3A_393 : vector<16xi32>
      %reduce_min3A_395 = arith.constant true
      %reduce_min3A_396 = vector.broadcast %reduce_min3A_395 : i1 to vector<16xi1>
      %reduce_min3A_397 = arith.constant -2147483648 : i32
      %reduce_min3A_398 = vector.broadcast %reduce_min3A_397 : i32 to vector<16xi32>
      %reduce_min3A_399 = arith.xori %min3A_394, %reduce_min3A_398 : vector<16xi32>
      %reduce_min3A_400 = tpu.scan <min>, %reduce_min3A_399 masked %reduce_min3A_396 : vector<16xi32>, vector<16xi1> -> vector<16xi32>
      %reduce_min3A_401 = arith.xori %reduce_min3A_400, %reduce_min3A_398 : vector<16xi32>
      %reduce_min3A_402 = vector.extract %reduce_min3A_401[15] : i32 from vector<16xi32>
      %eq3A_403 = arith.cmpi eq, %reduce_min3A_347, %reduce_min3A_402 : i32
      %jit3A = arith.constant 1.000000e+00 : f32
      %jit3A_404 = arith.constant 0.000000e+00 : f32
      %select_n3A_405 = arith.select %eq3A_403, %jit3A, %jit3A_404 : f32
      %broadcast_in_dim3A_406 = vector.broadcast %select_n3A_405 : f32 to vector<16xf32>
      %swap3A_407 = arith.constant 0 : index
      %swap3A_408 = tpu.vector_load %arg8[%swap3A_407] {strides = array<i32>} : memref<16xf32, #tpu.memory_space<vmem>>, vector<16xf32>,
      tpu.vector_store %arg8[%swap3A_407], %broadcast_in_dim3A_406 {strides = array<i32>} : memref<16xf32, #tpu.memory_space<vmem>>, vector<16xf32>,
      "tpu.region"() ({
        %run_scoped3A = tpu.sem_alloc : memref<!tpu.dma_semaphore, #tpu.memory_space<semaphore_mem>>
        tpu.enqueue_dma source(%arg8 : memref<16xf32, #tpu.memory_space<vmem>>) target(%arg3 : memref<16xf32, #tpu.memory_space<hbm>>) target_semaphore(%run_scoped3A : memref<!tpu.dma_semaphore, #tpu.memory_space<semaphore_mem>>)
        tpu.wait_dma2 semaphore(%run_scoped3A : memref<!tpu.dma_semaphore, #tpu.memory_space<semaphore_mem>>) src(%arg8 : memref<16xf32, #tpu.memory_space<vmem>>) dst(%arg3 : memref<16xf32, #tpu.memory_space<hbm>>)
        tpu.yield
      }) : () -> ()
    } else {
    }
    return
  }
}

</mosaic_0001>

<sc_bundles>
// kernel: kernel.3.cloned.1.call-start
scs
__scs_entry_jumppad:
0x0: {  	(pc) =	sbr.rel $0x88, $3  }
0x1: {  	(tag) =	ssettag $0x0;
	lr =	simm.s32 $0x1  }
0x2: {  	[smem:$0x3FA0] =	sst lr;
	_ =	strace $0xD0000000  }
0x3: {  	_ = 	snop  }
0x4: {  	_ = 	snop  }
0x5: {  	_ = 	snop  }
0x6: {  	_ = 	snop  }
0x7: {  	_ = 	snop  }
__scs_overlays_trampoline_lowered:
0x8: {  	[smem:$0x3FAF] =	sst s0  }
0x9: {  	[smem:$0x3FB0] =	sst s1  }
0xa: {  	[smem:$0x3FB1] =	sst s2  }
0xb: {  	[smem:$0x3FB2] =	sst s3  }
0xc: {  	[smem:$0x3FB3] =	sst s4  }
0xd: {  	[smem:$0x3FB4] =	sst s5  }
0xe: {  	[smem:$0x3FB5] =	sst s6  }
0xf: {  	[smem:$0x3FB6] =	sst s7  }
0x10: {  	[smem:$0x3FB7] =	sst s8  }
0x11: {  	[smem:$0x3FB8] =	sst s9;
	s0 =	simm.s32 @!p0 $0x0  }
0x12: {  	s1 =	sld [smem:$0x3F9E];
	s0 =	simm.s32 @p0 $0x1  }
0x13: {  	[smem:$0x3FB9] =	sst s0;
	s0 =	simm.s32 @!p1 $0x0  }
0x14: {  	s2 =	sld [smem:$0x3F9D];
	s0 =	simm.s32 @p1 $0x1  }
0x15: {  	[smem:$0x3FBA] =	sst s0;
	s0 =	simm.s32 @!p2 $0x0  }
0x16: {  	s3 =	sld [smem:$0x3FDB];
	s0 =	simm.s32 @p2 $0x1  }
0x17: {  	s4 =	simm.s32 $0x1BF5;
	[smem:$0x3FBC] =	sst s0  }
0x18: {  	s0 =	sld [smem:$0x3F9F];
	_ =	swait.ge [sflag:s4], $0x0  }
0x19: {  	s7 =	sld [smem:$0x3FA0]  }
0x1a: {  	s8 =	sadd.s32 $0xFFFFE003, lr  }
0x1b: {  	s9 =	sadd.s32 $0xFFFFFEF7, lr;
	s5 =	simm.s32 $0xFFFFFFFF;
	p2 =	slt.u32 s8, $0xFFFFF086  }
0x1c: {  	p1 =	slt.u32 s9, $0xF7A;
	s5 =	simm.s32 @!p2 $0x0  }
0x1d: {  	s5 =	simm.s32 @p1 $0x1;
	p0 =	seq.s32 s7, s2  }
0x1e: {  	s7 =	smul.u32 @!p0 $0xF7A, s2;
	p2 =	seq.s32 @!p0 s5, $0x0  }
0x1f: {  	s9 =	smul.u32 $0xF7A, s1;
	s8 =	simm.s32 @!p0 $0x1BF5;
	p2 =	por !p2, p0  }
0x20: {  	[sflag:s8] =	ssyncset.s32 @!p0 $0xFFFFF086;
	s6 =	sadd.s32 @!p0 s3, s7;
	s7 =	simm.s32 @!p0 $0x108  }
0x21: {  	s3 =	sadd.s32 s3, s9;
	s6 =	sadd.s32 @!p0 $0x88, s6;
	s7 =	simm.s32 @p2 $0x1082  }
0x22: {  	[simem:s7], [sflag:s8] =	dma.local @!p0 [hbm:s6], $0xF7A  }
0x23: {  	s9 =	sor.u32 $0xD0000000, s2;
	s6 =	simm.s32 $0x108;
	_ =	swait.ge @!p0 [sflag:s8], $0x0  }
0x24: {  	s3 =	sadd.s32 $0x88, s3;
	s6 =	simm.s32 @!p1 $0x1082;
	[sflag:s4] =	ssyncset.s32 $0xFFFFF086  }
0x25: {  	[simem:s6], [sflag:s4] =	dma.local [hbm:s3], $0xF7A  }
0x26: {  	[smem:$0x3FA0] =	sst s1;
	(tag) =	ssettag s2;
	_ =	strace s9  }
0x27: {  	s1 =	sld [smem:$0x3FB0]  }
0x28: {  	s2 =	sld [smem:$0x3FB1]  }
0x29: {  	s4 =	sld [smem:$0x3FB3]  }
0x2a: {  	p0 =	seq.s32 s5, $0x0;
	s5 =	sld [smem:$0x3FB4]  }
0x2b: {  	s6 =	sld [smem:$0x3FB5]  }
0x2c: {  	s7 =	sld [smem:$0x3FB6]  }
0x2d: {  	s3 =	simm.s32 $0x108;
	s8 =	sld [smem:$0x3FB7]  }
0x2e: {  	s3 =	simm.s32 @!p0 $0x1082;
	s9 =	sld [smem:$0x3FB8]  }
0x2f: {  	lr =	sadd.s32 s0, s3;
	s0 =	sld [smem:$0x3FAF]  }
0x30: {  	s3 =	sld [smem:$0x3FB2]  }
0x31: {  	[smem:$0x3FBB] =	sst s10  }
0x32: {  	s10 =	sld [smem:$0x3FB9];
	_ =	sdelay $0x3  }
0x33: {  	p0 =	seq.s32 s10, $0x1;
	s10 =	sld [smem:$0x3FBB];
	_ =	sdelay $0x3  }
0x34: {  	[smem:$0x3FBB] =	sst s10  }
0x35: {  	s10 =	sld [smem:$0x3FBA];
	_ =	sdelay $0x3  }
0x36: {  	p1 =	seq.s32 s10, $0x1;
	s10 =	sld [smem:$0x3FBB];
	_ =	sdelay $0x3  }
0x37: {  	[smem:$0x3FBB] =	sst s10  }
0x38: {  	s10 =	sld [smem:$0x3FBC]  }
0x39: {  	_ = 	snop;
	(pc) =	sbr.ind lr, $3  }
0x3a: {  	_ = 	snop  }
0x3b: {  	_ = 	snop  }
0x3c: {  	p2 =	seq.s32 s10, $0x1;
	s10 =	sld [smem:$0x3FBB]  }
0x3d: {  	_ =	shalt  }
0x3e: {  	_ =	shalt  }
0x3f: {  	_ =	shalt  }
0x40: {  	_ =	shalt  }
0x41: {  	_ =	shalt  }
0x42: {  	_ =	shalt  }
0x43: {  	_ =	shalt  }
0x44: {  	_ =	shalt  }
0x45: {  	_ =	shalt  }
0x46: {  	_ =	shalt  }
0x47: {  	_ =	shalt  }
0x48: {  	_ =	shalt  }
0x49: {  	_ =	shalt  }
0x4a: {  	_ =	shalt  }
0x4b: {  	_ =	shalt  }
0x4c: {  	_ =	shalt  }
0x4d: {  	_ =	shalt  }
0x4e: {  	_ =	shalt  }
0x4f: {  	_ =	shalt  }
0x50: {  	_ =	shalt  }
0x51: {  	_ =	shalt  }
0x52: {  	_ =	shalt  }
0x53: {  	_ =	shalt  }
0x54: {  	_ =	shalt  }
0x55: {  	_ =	shalt  }
0x56: {  	_ =	shalt  }
0x57: {  	_ =	shalt  }
0x58: {  	_ =	shalt  }
0x59: {  	_ =	shalt  }
0x5a: {  	_ =	shalt  }
0x5b: {  	_ =	shalt  }
0x5c: {  	_ =	shalt  }
0x5d: {  	_ =	shalt  }
0x5e: {  	_ =	shalt  }
0x5f: {  	_ =	shalt  }
0x60: {  	_ =	shalt  }
0x61: {  	_ =	shalt  }
0x62: {  	_ =	shalt  }
0x63: {  	_ =	shalt  }
0x64: {  	_ =	shalt  }
0x65: {  	_ =	shalt  }
0x66: {  	_ =	shalt  }
0x67: {  	_ =	shalt  }
0x68: {  	_ =	shalt  }
0x69: {  	_ =	shalt  }
0x6a: {  	_ =	shalt  }
0x6b: {  	_ =	shalt  }
0x6c: {  	_ =	shalt  }
0x6d: {  	_ =	shalt  }
0x6e: {  	_ =	shalt  }
0x6f: {  	_ =	shalt  }
0x70: {  	_ =	shalt  }
0x71: {  	_ =	shalt  }
0x72: {  	_ =	shalt  }
0x73: {  	_ =	shalt  }
0x74: {  	_ =	shalt  }
0x75: {  	_ =	shalt  }
0x76: {  	_ =	shalt  }
0x77: {  	_ =	shalt  }
0x78: {  	_ =	shalt  }
0x79: {  	_ =	shalt  }
0x7a: {  	_ =	shalt  }
0x7b: {  	_ =	shalt  }
0x7c: {  	_ =	shalt  }
0x7d: {  	_ =	shalt  }
0x7e: {  	_ =	shalt  }
0x7f: {  	_ =	shalt  }
0x80: {  	_ =	shalt  }
0x81: {  	_ =	shalt  }
0x82: {  	_ =	shalt  }
0x83: {  	_ =	shalt  }
0x84: {  	_ =	shalt  }
0x85: {  	_ =	shalt  }
0x86: {  	_ =	shalt  }
0x87: {  	_ =	shalt  }
.Lfunc_end0:
.L_simem_size_0:
called_computation_lowered:
.L_overlay_start_0:
0x88: {  	s0 =	sld [smem:$0x3FD9]  }
0x89: {  	s1 =	sld [smem:$0x3FFE];
	_ =	sdelay $0x3  }
0x8a: {  	s0 =	sadd.s32 s1, s0  }
0x8b: {  	[smem:$0x3FC7] =	sst s0  }
0x8c: {  	_ = 	snop  }
0x8d: {  	s0 =	sld [smem:$0x3FC9]  }
0x8e: {  	s17 =	sld [smem:$0x3FD0];
	(tm) =	ssettm $0x1  }
0x8f: {  	s2 =	sld [smem:$0x3FFB];
	_ =	sdelay $0x3  }
0x90: {  	_ =	strace s2  }
0x91: {  	s2 =	sld [smem:$0x3FFC];
	_ =	sdelay $0x3  }
0x92: {  	_ =	strace s2  }
0x93: {  	s2 =	sld [smem:$0x3FFD];
	_ =	sdelay $0x3  }
0x94: {  	_ =	strace s2  }
0x95: {  	_ =	strace $0x8FFFFFFF  }
0x96: {  	s18 =	sld [smem:$0x3FDB];
	_ =	sdelay $0x1  }
0x97: {  	s3 =	simm.s32 $_scs_section_size  }
0x98: {  	s4 =	simm.s32 $_size__tile_overlayer_lowered;
	s5 =	simm.s32 $_tile_overlayer_lowered  }
0x99: {  	s21 =	simm.s32 $0x1BFF;
	s20 =	sshll.u32 s5, $0x1;
	s2 =	sadd.s32 s3, s18  }
0x9a: {  	s6 =	simm.s32 $0x0;
	s19 =	sshll.u32 s4, $0x1;
	s4 =	sadd.s32 s20, s2  }
0x9b: {  	[timem:s6], [sflag:s21] =	dma.local [hbm:s4], s19  }
0x9c: {  	_ =	swait.ge [sflag:s21], s19  }
0x9d: {  	s3 =	ssub.s32 $0x0, s19;
	[sflag:s21] =	ssyncset.done $0x0  }
0x9e: {  	[sflag:s21] =	ssyncadd.s32 s3;
	_ =	sdelay $0x1  }
0x9f: {  	s22 =	simm.s32 $0x1B8B  }
0xa0: {  	_ =	swait.ge [sflag:s22], $0x1  }
0xa1: {  	[sflag:s22] =	ssyncset.done $0x0  }
0xa2: {  	s23 =	simm.s32 $0x1B8E;
	[sflag:s22] =	ssyncadd.s32 $0xFFFFFFFF  }
0xa3: {  	s24 =	simm.s32 $execute0_lowered;
	[smem:$0x3FD2] =	sst s23  }
0xa4: {  	s3 =	sshll.u32 s24, $0x1;
	_ =	strace $0x80000046;
	[dreg:$0x1] =	wrdreg $0xFFFFFFFF  }
0xa5: {  	s25 =	simm.s32 $_size_execute0_lowered;
	s2 =	sadd.s32 s2, s3;
	[dreg:$0x0] =	wrdreg $0x0  }
0xa6: {  	s3 =	sshll.u32 s25, $0x1;
	[dreg:$0x2] =	wrdreg s2  }
0xa7: {  	[dreg:$0x3] =	wrdreg s3  }
0xa8: {  	[dreg:$0x4] =	wrdreg $0xC0  }
0xa9: {  	_ =	task [dreg:s6], $0x5FFFF  }
0xaa: {  	[dreg:$0x1] =	wrdreg $0xFFFFFFFF  }
0xab: {  	[dreg:$0x0] =	wrdreg $0x60  }
0xac: {  	[dreg:$0x2] =	wrdreg s0  }
0xad: {  	[dreg:$0x3] =	wrdreg s17  }
0xae: {  	[dreg:$0x4] =	wrdreg $0xA200  }
0xaf: {  	[dreg:$0x5] =	wrdreg $0x9  }
0xb0: {  	_ =	task.clear_ibuf [dreg:s6], $0x6FFFF;
	_ =	strace $0x90000046  }
0xb1: {  	s26 =	simm.s32 $0x9;
	_ =	strace $0x80000048  }
0xb2: {  	_ =	swait.ge [sflag:s26], $0x1  }
0xb3: {  	[sflag:s26] =	ssyncadd.s32 $0xFFFFFFFF  }
0xb4: {  	_ =	strace $0x90000048  }
0xb5: {  	_ =	sfence  }
0xb6: {  	s28 =	sld [smem:$0x0];
	_ =	sdelay $0x1  }
0xb7: {  	s29 =	srdreg.scid  }
0xb8: {  	s30 =	sshll.u32 s29, $0xD;
	s31 =	sshrl.u32 s29, $0x2  }
0xb9: {  	s1 =	sand.u32 $0x1, s29;
	s2 =	sand.u32 $0x4000, s30;
	s0 =	sadd.s32 s31, s28  }
0xba: {  	s1 =	sor.u32 s2, s1;
	s0 =	sshll.u32 s0, $0x11  }
0xbb: {  	s0 =	sor.u32 s0, s1  }
0xbc: {  	s0 =	sadd.s32 $0x8F2B, s0  }
0xbd: {  	[sflag:s0] =	ssyncadd.remote.s32 $0x1  }
0xbe: {  	_ =	sfence.sel $0xFFFF  }
0xbf: {  	[dreg:$0x0] =	wrdreg $0xFFFFFFFF;
	(pc) =	sbr.abs _section_cstart, $3  }
0xc0: {  	[dreg:$0x1] =	wrdreg $0xFFFFFFFF  }
0xc1: {  	_ =	task.clear_ibuf [dreg:s6], $0x2FFFF;
	_ =	strace $0x9FFFFFFF  }
0xc2: {  	(tm) =	ssettm $0x7FFFFFFF  }
0xc3: {  	_ =	shalt  }
tec
execute0_lowered:
.L_overlay_start_1:
0x0: {  	(tag) =	ssettag $0x1  }
0x1: {  	s5 =	rddreg [dreg:$0x0]  }
0x2: {  	s1 =	rddreg [dreg:$0x1]  }
0x3: {  	s2 =	rddreg [dreg:$0x2];
	s4 =	simm.s32 $0x0;
	s3 =	stileid.u32  }
0x4: {  	[smem:$0x7FF] =	sst s4;
	s6 =	sshll.u32 s3, $0x8  }
0x5: {  	s0 =	rddreg [dreg:$0x3];
	_ =	strace $0x80000047;
	s5 =	sadd.s32 s5, s6  }
0x6: {  	[tilespmem:s4], [sflag:$0x1] =	stream.linear.gather [hbm4b:s5+s4], $0x400, $0x38;
	[tilespmem:$0xA50] =	vst v63  }
0x7: {  	s28 =	simm.s32 $0x400;
	s29 =	simm.s32 $0x1;
	s5 =	sadd.s32 $0x80, s5  }
0x8: {  	[tilespmem:s28], [sflag:$0x2] =	stream.linear.gather [hbm4b:s5+s4], $0x400, $0x38;
	[tilespmem:$0xA50] =	vst v63  }
0x9: {  	_ =	swait.ge [sflag:s29], $0x400  }
0xa: {  	[sflag:s29] =	ssyncset.done $0x0  }
0xb: {  	s30 =	simm.s32 $0x40;
	[sflag:s29] =	ssyncadd.s32 $0xFFFFFC00  }
0xc: {  	v0 =	vld [tilespmem:s30+$0xFFFFFFC0]  }
0xd: {  	v1 =	vld [tilespmem:s30+$0x0]  }
0xe: {  	v7 =	vld [tilespmem:s30+$0xFFFFFFE0]  }
0xf: {  	v9 =	vld [tilespmem:s30+$0xFFFFFFF0]  }
0x10: {  	v2 =	vld [tilespmem:s30+$0xFFFFFFD0]  }
0x11: {  	v12 =	vld [tilespmem:s30+$0x20]  }
0x12: {  	v6 =	vimm.f32 $-Inf;
	v13 =	vld [tilespmem:s30+$0x30]  }
0x13: {  	v5 =	vimm.s32 $0x0;
	s6 =	simm.s32 $0xC0;
	v3 =	vld [tilespmem:s30+$0x10];
	vm0 =	vgt.f32 v0, v6;
	vm2 =	vgt.f32 v7, v6  }
0x14: {  	v8 =	vld [tilespmem:s6+$0x0];
	vm3 =	vgt.f32 v9, v6;
	v0 =	vsel vm0, v0, v6;
	v4 =	vsel vm0, s4, v5  }
0x15: {  	v10 =	vld [tilespmem:s6+$0xFFFFFFC0];
	vm0 =	vgt.f32 v2, v6;
	v15 =	vsel vm2, v7, v6;
	vm1 =	vgt.f32 v1, v0  }
0x16: {  	s31 =	simm.s32 $0x4;
	v9 =	vsel vm3, v9, v6;
	v14 =	vsel vm0, v2, v6;
	v11 =	vsel vm1, v1, v0;
	v1 =	vld [tilespmem:s6+$0x10]  }
0x17: {  	vm4 =	vgt.f32 v12, v15;
	v2 =	vld [tilespmem:s6+$0xFFFFFFE0];
	vm5 =	vgt.f32 v13, v9;
	v4 =	vsel vm1, s31, v4  }
0x18: {  	s7 =	simm.s32 $0x10;
	v0 =	vld [tilespmem:s6+$0xFFFFFFD0];
	vm1 =	vgt.f32 v3, v14;
	v6 =	vsel vm4, v12, v15;
	v9 =	vsel vm5, v13, v9  }
0x19: {  	s8 =	simm.s32 $0x2;
	s9 =	simm.s32 $0x3;
	s5 =	simm.s32 $0x8;
	v13 =	vimm.s32 $0x0;
	v12 =	vimm.s32 $0x0;
	v7 =	vsel vm1, v3, v14;
	v3 =	vld [tilespmem:s6+$0xFFFFFFF0]  }
.LBB2_1:
0x1a: {  	p0 =	slt.u32 s7, $0x38;
	vm6 =	vgt.f32 v10, v11;
	v14 =	vld [tilespmem:s6+$0x20];
	v5 =	vsel vm2, s8, v5;
	v13 =	vsel vm3, s9, v13;
	s8 =	sadd.s32 $0x6, s4;
	s9 =	sadd.s32 $0x7, s4  }
0x1b: {  	s10 =	sadd.s32 $0x1, s4;
	v11 =	vsel vm6, v10, v11;
	v15 =	vld [tilespmem:s6+$0x30];
	s6 =	sadd.s32 $0x80, s6;
	v5 =	vsel vm4, s8, v5;
	v13 =	vsel vm5, s9, v13;
	v16 =	vmovc v1  }
0x1c: {  	v1 =	vsel vm6, s5, v4;
	s8 =	sadd.s32 $0x4, s5;
	v12 =	vsel vm0, s10, v12;
	s9 =	sadd.s32 $0x5, s4;
	s4 =	smov.u32 s5;
	v17 =	vld [tilespmem:s6+$0x0];
	vm2 =	vgt.f32 v8, v11  }
.Ltmp0:
0x1d: {  	s5 =	smov.u32 s7;
	v12 =	vsel vm1, s9, v12;
	v10 =	vld [tilespmem:s6+$0xFFFFFFC0];
	v11 =	vsel vm2, v8, v11;
	v4 =	vsel vm2, s8, v1;
	(pc) =	sbr.rel @p0 .LBB2_1-.Ltmp0, $4  }
0x1e: {  	vm0 =	vgt.f32 v0, v7;
	vm2 =	vgt.f32 v2, v6;
	v1 =	vld [tilespmem:s6+$0x10];
	vm3 =	vgt.f32 v3, v9  }
0x1f: {  	v7 =	vsel vm0, v0, v7;
	v6 =	vsel vm2, v2, v6;
	v0 =	vld [tilespmem:s6+$0xFFFFFFD0];
	v18 =	vsel vm3, v3, v9  }
0x20: {  	vm1 =	vgt.f32 v16, v7;
	vm4 =	vgt.f32 v14, v6;
	v2 =	vld [tilespmem:s6+$0xFFFFFFE0];
	vm5 =	vgt.f32 v15, v18  }
0x21: {  	s7 =	sadd.s32 $0x8, s7;
	s9 =	sadd.s32 $0x3, s4;
	s8 =	sadd.s32 $0x2, s4;
	v7 =	vsel vm1, v16, v7;
	v6 =	vsel vm4, v14, v6;
	v3 =	vld [tilespmem:s6+$0xFFFFFFF0];
	v9 =	vsel vm5, v15, v18;
	v8 =	vmovc v17  }
0x22: {  	v14 =	vld [tilespmem:s6+$0x20];
	s18 =	simm.s32 $0x2  }
0x23: {  	v15 =	vld [tilespmem:s6+$0x30];
	_ =	swait.ge [sflag:s18], $0x400  }
0x24: {  	vm6 =	vgt.f32 v10, v11;
	v5 =	vsel vm2, s8, v5;
	v13 =	vsel vm3, s9, v13;
	s7 =	sadd.s32 $0x6, s4;
	s19 =	sadd.s32 $0x7, s4;
	[sflag:s18] =	ssyncset.done $0x0  }
0x25: {  	s20 =	sadd.s32 $0x1, s4;
	s21 =	simm.s32 $0x470;
	v10 =	vsel vm6, v10, v11;
	v5 =	vsel vm4, s7, v5;
	v11 =	vsel vm5, s19, v13;
	[sflag:s18] =	ssyncadd.s32 $0xFFFFFC00  }
0x26: {  	s23 =	sadd.s32 $0x5, s4;
	v4 =	vsel vm6, s5, v4;
	v12 =	vsel vm0, s20, v12;
	vm2 =	vgt.f32 v8, v10;
	v13 =	vld [tilespmem:s21+$0xFFFFFFD0]  }
0x27: {  	s22 =	sadd.s32 $0x4, s5;
	v12 =	vsel vm1, s23, v12;
	vm0 =	vgt.f32 v0, v7;
	v8 =	vsel vm2, v8, v10;
	v16 =	vld [tilespmem:s21+$0xFFFFFF90]  }
0x28: {  	v10 =	vsel vm2, s22, v4;
	vm1 =	vgt.f32 v2, v6;
	vm2 =	vgt.f32 v3, v9;
	v17 =	vld [tilespmem:s21+$0xFFFFFFE0]  }
0x29: {  	v0 =	vsel vm0, v0, v7;
	v2 =	vsel vm1, v2, v6;
	v6 =	vld [tilespmem:s21+$0xFFFFFFA0];
	v3 =	vsel vm2, v3, v9  }
0x2a: {  	s24 =	sadd.s32 $0x2, s5;
	vm3 =	vgt.f32 v1, v0;
	v18 =	vld [tilespmem:s21+$0xFFFFFFB0];
	vm4 =	vgt.f32 v14, v2;
	vm5 =	vgt.f32 v15, v3  }
0x2b: {  	s25 =	sadd.s32 $0x3, s5;
	s26 =	sadd.s32 $0x6, s5;
	v19 =	vsel vm3, v1, v0;
	v0 =	vsel vm1, s24, v5;
	v3 =	vsel vm5, v15, v3;
	v15 =	vld [tilespmem:s21+$0xFFFFFFC0]  }
0x2c: {  	s28 =	sadd.s32 $0x7, s5;
	s29 =	sadd.s32 $0x1, s5;
	v63 =	vld [tilespmem:s21+$0x0];
	v1 =	vsel vm2, s25, v11;
	v4 =	vsel vm4, s26, v0;
	vm1 =	vgt.f32 v16, v8  }
0x2d: {  	s6 =	simm.s32 $0x4F0;
	s30 =	sadd.s32 $0x5, s5;
	v11 =	vld [tilespmem:s21+$0xFFFFFFF0];
	v5 =	vsel vm5, s28, v1;
	v1 =	vsel vm0, s29, v12;
	v0 =	vsel vm1, v16, v8  }
0x2e: {  	s4 =	simm.s32 $0x40;
	v9 =	vld [tilespmem:s6+$0xFFFFFF90];
	v14 =	vsel vm4, v14, v2;
	v2 =	vsel vm3, s30, v1;
	vm0 =	vgt.f32 v13, v0  }
0x2f: {  	s31 =	simm.s32 $0x44;
	v1 =	vld [tilespmem:s6+$0xFFFFFFE0];
	vm2 =	vgt.f32 v18, v14;
	v7 =	vsel vm1, s4, v10;
	v12 =	vsel vm0, v13, v0  }
0x30: {  	v8 =	vld [tilespmem:s6+$0xFFFFFFD0];
	v7 =	vsel vm0, s31, v7;
	vm0 =	vgt.f32 v6, v19;
	vm3 =	vgt.f32 v15, v3  }
0x31: {  	v14 =	vsel vm2, v18, v14;
	v0 =	vld [tilespmem:s6+$0xFFFFFFA0];
	v10 =	vsel vm0, v6, v19;
	v15 =	vsel vm3, v15, v3  }
0x32: {  	s8 =	simm.s32 $0x42;
	vm4 =	vgt.f32 v11, v14;
	v3 =	vld [tilespmem:s6+$0xFFFFFFB0];
	vm1 =	vgt.f32 v17, v10;
	vm5 =	vgt.f32 v63, v15  }
0x33: {  	s9 =	simm.s32 $0x43;
	s5 =	simm.s32 $0x48;
	s7 =	simm.s32 $0x50;
	v6 =	vld [tilespmem:s6+$0xFFFFFFC0];
	v13 =	vsel vm1, v17, v10;
	v10 =	vsel vm4, v11, v14;
	v11 =	vsel vm5, v63, v15  }
.LBB2_3:
0x34: {  	p0 =	slt.u32 s7, $0x78;
	vm6 =	vgt.f32 v9, v12;
	v14 =	vld [tilespmem:s6+$0xFFFFFFF0];
	v4 =	vsel vm2, s8, v4;
	v5 =	vsel vm3, s9, v5;
	s8 =	sadd.s32 $0x6, s4;
	s9 =	sadd.s32 $0x7, s4  }
0x35: {  	s10 =	sadd.s32 $0x1, s4;
	v12 =	vsel vm6, v9, v12;
	v15 =	vld [tilespmem:s6+$0x0];
	s6 =	sadd.s32 $0x80, s6;
	v4 =	vsel vm4, s8, v4;
	v5 =	vsel vm5, s9, v5;
	v16 =	vmovc v1  }
0x36: {  	v1 =	vsel vm6, s5, v7;
	s8 =	sadd.s32 $0x4, s5;
	v2 =	vsel vm0, s10, v2;
	s9 =	sadd.s32 $0x5, s4;
	s4 =	smov.u32 s5;
	v17 =	vld [tilespmem:s6+$0xFFFFFFD0];
	vm2 =	vgt.f32 v8, v12  }
.Ltmp1:
0x37: {  	s5 =	smov.u32 s7;
	v2 =	vsel vm1, s9, v2;
	v9 =	vld [tilespmem:s6+$0xFFFFFF90];
	v12 =	vsel vm2, v8, v12;
	v7 =	vsel vm2, s8, v1;
	(pc) =	sbr.rel @p0 .LBB2_3-.Ltmp1, $4  }
0x38: {  	vm0 =	vgt.f32 v0, v13;
	vm2 =	vgt.f32 v3, v10;
	v1 =	vld [tilespmem:s6+$0xFFFFFFE0];
	vm3 =	vgt.f32 v6, v11  }
0x39: {  	v18 =	vsel vm0, v0, v13;
	v10 =	vsel vm2, v3, v10;
	v0 =	vld [tilespmem:s6+$0xFFFFFFA0];
	v11 =	vsel vm3, v6, v11  }
0x3a: {  	vm1 =	vgt.f32 v16, v18;
	vm4 =	vgt.f32 v14, v10;
	v3 =	vld [tilespmem:s6+$0xFFFFFFB0];
	vm5 =	vgt.f32 v15, v11  }
0x3b: {  	s7 =	sadd.s32 $0x8, s7;
	s9 =	sadd.s32 $0x3, s4;
	s8 =	sadd.s32 $0x2, s4;
	v13 =	vsel vm1, v16, v18;
	v10 =	vsel vm4, v14, v10;
	v6 =	vld [tilespmem:s6+$0xFFFFFFC0];
	v11 =	vsel vm5, v15, v11;
	v8 =	vmovc v17  }
0x3c: {  	vm6 =	vgt.f32 v9, v12;
	v4 =	vsel vm2, s8, v4;
	v5 =	vsel vm3, s9, v5;
	s7 =	sadd.s32 $0x6, s4;
	s17 =	sadd.s32 $0x7, s4  }
0x3d: {  	s18 =	sadd.s32 $0x1, s4;
	v9 =	vsel vm6, v9, v12;
	v4 =	vsel vm4, s7, v4;
	v5 =	vsel vm5, s17, v5  }
0x3e: {  	v14 =	vld [tilespmem:s6+$0xFFFFFFF0];
	s20 =	sadd.s32 $0x5, s4;
	v7 =	vsel vm6, s5, v7;
	v2 =	vsel vm0, s18, v2;
	vm9 =	vgt.f32 v8, v9  }
0x3f: {  	v58 =	vld [tilespmem:s6+$0x0];
	s19 =	sadd.s32 $0x4, s5;
	v2 =	vsel vm1, s20, v2;
	vm10 =	vgt.f32 v0, v13;
	v8 =	vsel vm9, v8, v9  }
0x40: {  	s23 =	sadd.s32 $0x1, s5;
	v7 =	vsel vm9, s19, v7;
	vm11 =	vgt.f32 v3, v10;
	v0 =	vsel vm10, v0, v13  }
0x41: {  	s21 =	sadd.s32 $0x2, s5;
	v2 =	vsel vm10, s23, v2;
	vm12 =	vgt.f32 v6, v11;
	v3 =	vsel vm11, v3, v10  }
0x42: {  	s22 =	sadd.s32 $0x3, s5;
	vm13 =	vgt.f32 v1, v0;
	v4 =	vsel vm11, s21, v4;
	v6 =	vsel vm12, v6, v11  }
0x43: {  	s26 =	sadd.s32 $0x5, s5;
	vm14 =	vgt.f32 v14, v3;
	v0 =	vsel vm13, v1, v0;
	v5 =	vsel vm12, s22, v5  }
0x44: {  	s24 =	sadd.s32 $0x6, s5;
	v2 =	vsel vm13, s26, v2;
	vm15 =	vgt.f32 v58, v6;
	v59 =	vsel vm14, v14, v3  }
0x45: {  	s25 =	sadd.s32 $0x7, s5;
	v4 =	vsel vm14, s24, v4;
	vm8 =	vgt.f32 v0, v8;
	vm9 =	veq.f32 v0, v8  }
0x46: {  	vm10 =	vlt.s32 v2, v7;
	v60 =	vsel vm15, v58, v6;
	v5 =	vsel vm15, s25, v5  }
0x47: {  	vm1 =	vmand vm9, vm10;
	vm11 =	veq.f32 v60, v59;
	vm12 =	vlt.s32 v5, v4  }
0x48: {  	vm0 =	vmor vm8, vm1;
	vm13 =	vgt.f32 v60, v59;
	vm2 =	vmand vm11, vm12  }
0x49: {  	v0 =	vsel vm0, v0, v8;
	vm1 =	vmor vm13, vm2  }
0x4a: {  	v2 =	vsel vm0, v2, v7;
	v1 =	vsel vm1, v60, v59;
	v61 =	vsel vm1, v5, v4  }
0x4b: {  	vm14 =	veq.f32 v1, v0;
	vm1 =	vlt.s32 v61, v2  }
0x4c: {  	vm15 =	vgt.f32 v1, v0;
	vm0 =	vmand vm14, vm1  }
0x4d: {  	vm0 =	vmor vm15, vm0  }
0x4e: {  	v2 =	vsel vm0, v61, v2  }
0x4f: {  	s28 =	sshll.u32 s3, $0xB;
	v2 =	vshll.u32 v2, $0x4  }
0x50: {  	v62 =	vlaneseq.u32;
	v0 =	vsel vm0, v1, v0;
	v63 =	vadd.s32 s28, v2  }
0x51: {  	s29 =	sshll.u32 s3, $0x5;
	[tilespmem:$0x800] =	vst v0;
	v1 =	vor.u32 v62, v63  }
0x52: {  	s30 =	simm.s32 $0x800;
	s31 =	simm.s32 $0x3;
	s4 =	sadd.s32 s29, s2;
	[tilespmem:$0x810] =	vst v1  }
0x53: {  	[spmem:s4] =	stream.linear.scatter [tilespmem:s30], [sflag:$0x3], $0x20, $0x38;
	[tilespmem:$0xA50] =	vst v63  }
0x54: {  	_ =	swait.ge [sflag:s31], $0x20  }
0x55: {  	[sflag:s31] =	ssyncset.done $0x0  }
0x56: {  	[sflag:s31] =	ssyncadd.s32 $0xFFFFFFE0  }
0x57: {  	p0 =	sne.s32 s3, $0x0;
	[bflag:$0x0] =	sbarrier.arrive $0xFFFF  }
0x58: {  	_ =	sfence.sel @p0 $0x180000  }
0x59: {  	[bflag:$0x0] =	sbarrier.arrive @p0 $0xFFFF  }
0x5a: {  	_ =	strace @p0 $0x90000047  }
0x5b: {  	s3 =	simm.s32 @!p0 $0x820;
	[bflag:$0x2] =	sbarrier.arrive @p0 $0xFFFF  }
0x5c: {  	[tilespmem:s3], [sflag:$0x3] =	stream.linear.gather @!p0 [spmem:s2], $0x200, $0x38;
	[tilespmem:$0xA50] =	vst v63  }
0x5d: {  	s2 =	simm.s32 @!p0 $0x3  }
0x5e: {  	_ =	swait.ge @!p0 [sflag:s2], $0x200  }
0x5f: {  	[sflag:s2] =	ssyncset.done @!p0 $0x0  }
0x60: {  	v0 =	vimm.f32 @!p0 $1.000000000e+00;
	[sflag:s2] =	ssyncadd.s32 @!p0 $0xFFFFFE00  }
0x61: {  	s4 =	simm.s32 @!p0 $0xA40;
	s3 =	simm.s32 @!p0 $0x0;
	[tilespmem:$0xA40] =	vst @!p0 v0  }
0x62: {  	[hbm4b:s1+s3] =	stream.linear.scatter @!p0 [tilespmem:s4], [sflag:$0x3], $0x10, $0x38;
	[tilespmem:$0xA50] =	vst v63  }
0x63: {  	_ =	swait.ge @!p0 [sflag:s2], $0x10  }
0x64: {  	[sflag:s2] =	ssyncset.done @!p0 $0x0  }
0x65: {  	[sflag:s2] =	ssyncadd.s32 @!p0 $0xFFFFFFF0  }
0x66: {  	_ =	sfence.sel @!p0 $0x180000  }
0x67: {  	[bflag:$0x0] =	sbarrier.arrive @!p0 $0xFFFF  }
0x68: {  	_ =	strace @!p0 $0x90000047  }
0x69: {  	s0 =	sadd.s32 @!p0 $0x100000, s0;
	[bflag:$0x2] =	sbarrier.arrive @!p0 $0xFFFF  }
0x6a: {  	[sflag:s0] =	ssyncadd.tile.s32 @!p0 $0x1;
	_ =	shalt  }
.Lfunc_end2:
_tile_overlayer_lowered:
.L_overlay_start_2:
0x6b: {  	(tag) =	ssettag $0x2  }
0x6c: {  	s0 =	rddreg [dreg:$0x0];
	s2 =	stileid.u32  }
0x6d: {  	s1 =	rddreg [dreg:$0x1];
	p0 =	sne.s32 s2, $0x0  }
0x6e: {  	s3 =	rddreg [dreg:$0x2];
	[bflag:$0x3] =	sbarrier.arrive $0xFFFF;
	s2 =	simm.s32 @!p0 $0x1C03  }
0x6f: {  	[timem:s3], [sflag:s2] =	dma.local @!p0 [hbm:s0], s1  }
0x70: {  	s0 =	simm.s32 @!p0 $0x3  }
0x71: {  	_ =	swait.ge @!p0 [sflag:s0], s1  }
0x72: {  	s1 =	ssub.s32 @!p0 $0x0, s1;
	[sflag:s0] =	ssyncset.done @!p0 $0x0  }
0x73: {  	[sflag:s0] =	ssyncadd.s32 @!p0 s1  }
0x74: {  	[bflag:$0x3] =	sbarrier.arrive $0xFFFF  }
0x75: {  	_ =	shalt  }

</sc_bundles>
